<compile_context>
chip_gen: v7x
topology: tpu7x:2x2x1
jax: 0.10.2.dev20260603
libtpu: 0.0.44.dev20260713+nightly
codegen_flags: <defaults>
</compile_context>

<pallas_src>
import functools

import jax
import jax.numpy as jnp
from jax import lax
from jax.experimental import pallas as pl
from jax.experimental.pallas import tpu as pltpu
from jax.experimental.pallas import tpu_sc as plsc

_NC = 2
_NS = 16
_NW = _NC * _NS

_NB = 4


@functools.lru_cache(maxsize=None)
def _gather_kernel(B, T, V, D, nb):
    imgs_per_w = B // _NW
    n_per_w = imgs_per_w * T
    assert imgs_per_w % nb == 0
    mesh = plsc.VectorSubcoreMesh(core_axis_name="c", subcore_axis_name="s")

    @functools.partial(
        pl.kernel,
        mesh=mesh,
        compiler_params=pltpu.CompilerParams(use_tc_tiling_on_sc=False),
        out_type=jax.ShapeDtypeStruct((B, T, D), jnp.float32),
        scratch_types=[
            pltpu.VMEM((n_per_w,), jnp.int32),
            pltpu.VMEM((nb, T, D), jnp.float32),
        ]
        + [pltpu.SemaphoreType.DMA] * (2 * nb),
    )
    def k(x_hbm, w_hbm, out_hbm, idx_v, rows_v, *sems):
        gsem, wsem = sems[:nb], sems[nb:]
        wid = lax.axis_index("s") * _NC + lax.axis_index("c")
        base_img = wid * imgs_per_w
        pltpu.sync_copy(x_hbm.at[pl.ds(base_img * T, n_per_w)], idx_v)

        def gather(g, b):
            pltpu.async_copy(
                w_hbm.at[idx_v.at[pl.ds(g * T, T)]], rows_v.at[b], gsem[b]
            )

        for b in range(nb):
            gather(b, b)

        def body(i, carry):
            g0 = i * nb
            for b in range(nb):
                pltpu.make_async_copy(
                    w_hbm.at[idx_v.at[pl.ds(0, T)]], rows_v.at[b], gsem[b]
                ).wait()
                pltpu.async_copy(
                    rows_v.at[b], out_hbm.at[base_img + g0 + b], wsem[b]
                )
            for b in range(nb):
                pltpu.make_async_copy(
                    rows_v.at[b], out_hbm.at[base_img], wsem[b]
                ).wait()
                gather(jnp.minimum(g0 + nb + b, imgs_per_w - 1), b)
            return carry

        lax.fori_loop(0, imgs_per_w // nb, body, 0)

        for b in range(nb):
            pltpu.make_async_copy(
                w_hbm.at[idx_v.at[pl.ds(0, T)]], rows_v.at[b], gsem[b]
            ).wait()

    return k


def kernel(x, weight):
    B, T = x.shape
    V, D = weight.shape
    return _gather_kernel(B, T, V, D, _NB)(x.reshape(B * T), weight)

# --- scband reference (transcript-rebuilt; emitter-appended) ---
"""Pipeline reference for scband-sinusoid-positional-encoding-62448824484434 (READ-ONLY COPY).

The authoritative reference and input builder live on the scoring server;
editing this copy changes nothing except your own understanding.
"""

import jax, jax.numpy as jnp
import numpy as np

NUM_EMBEDDINGS = 100000
EMBEDDING_DIM = 64
BASE = 10000


def make_sinusoid_weight(num_embeddings=NUM_EMBEDDINGS, embedding_dim=EMBEDDING_DIM, base=BASE):
    assert embedding_dim % 2 == 0
    positions = jnp.arange(num_embeddings, dtype=jnp.float32)
    i = jnp.arange(embedding_dim // 2, dtype=jnp.float32)
    freqs = positions[:, None] / (base ** (2.0 * i / embedding_dim))
    # torch: stack([sin, cos]) -> [2, N, D/2]; permute(1,2,0) -> [N, D/2, 2]; view -> [N, D]
    weight = jnp.stack([jnp.sin(freqs), jnp.cos(freqs)], axis=-1).reshape(num_embeddings, embedding_dim)
    return weight


def setup_inputs(seed: int = 0) -> dict:
    key = jax.random.key(seed)
    x = jax.random.randint(key, (4096, 200), 0, NUM_EMBEDDINGS, dtype=jnp.int32)
    weight = make_sinusoid_weight()
    return {"x": x, "weight": weight}


def reference(x, weight):
    # embedding gather: weight[x] -> [4096, 200, 64]
    return jnp.take(weight, x, axis=0)

if __name__ == "__main__":
    import jax
    _d = setup_inputs()
    print(jax.jit(kernel)(*tuple(_d.values())))

</pallas_src>

<mosaic_0001>
#map = affine_map<(d0, d1) -> (0)>
#map1 = affine_map<(d0, d1) -> (0, 0)>
#map2 = affine_map<(d0, d1) -> (0, 0, 0)>
module attributes {stable_mosaic.version = 14 : i64} {
  func.func @k(%arg0: i32, %arg1: i32, %arg2: memref<819200xi32, #tpu.memory_space<hbm>>, %arg3: memref<100000x64xf32, #tpu.memory_space<hbm>>, %arg4: memref<4096x200x64xf32, #tpu.memory_space<hbm>>, %arg5: memref<25600xi32, #tpu.memory_space<vmem>>, %arg6: memref<4x200x64xf32, #tpu.memory_space<vmem>>, %arg7: memref<!tpu.dma_semaphore, #tpu.memory_space<semaphore_mem>>, %arg8: memref<!tpu.dma_semaphore, #tpu.memory_space<semaphore_mem>>, %arg9: memref<!tpu.dma_semaphore, #tpu.memory_space<semaphore_mem>>, %arg10: memref<!tpu.dma_semaphore, #tpu.memory_space<semaphore_mem>>, %arg11: memref<!tpu.dma_semaphore, #tpu.memory_space<semaphore_mem>>, %arg12: memref<!tpu.dma_semaphore, #tpu.memory_space<semaphore_mem>>, %arg13: memref<!tpu.dma_semaphore, #tpu.memory_space<semaphore_mem>>, %arg14: memref<!tpu.dma_semaphore, #tpu.memory_space<semaphore_mem>>) attributes {dimension_semantics = [#tpu.dimension_semantics<core_parallel>, #tpu.dimension_semantics<subcore_parallel>], iteration_bounds = array<i64: 2, 16>, scalar_prefetch = 0 : i64, scratch_operands = 10 : i64, tpu.core_type = #tpu.core_type<sc_vector_subcore>, window_params = [{transform_indices = #map}, {transform_indices = #map1}, {transform_indices = #map2}]} {
    %mul3A = arith.constant 2 : i32
    %mul3A_0 = arith.muli %arg1, %mul3A : i32
    %add3A = arith.addi %mul3A_0, %arg0 : i32
    %mul3A_1 = arith.constant 128 : i32
    %mul3A_2 = arith.muli %add3A, %mul3A_1 : i32
    %mul3A_3 = arith.constant 200 : i32
    %mul3A_4 = arith.muli %mul3A_2, %mul3A_3 : i32
    "tpu.region"() ({
      %run_scoped3A = tpu.sem_alloc : memref<!tpu.dma_semaphore, #tpu.memory_space<semaphore_mem>>
      %dma_start3A_88 = tpu.memref_slice %arg2[%mul3A_4] : memref<819200xi32, #tpu.memory_space<hbm>> -> memref<25600xi32, #tpu.memory_space<hbm>>
      %dma_start3A_89 = tpu.memref_slice %arg2[%mul3A_4] : memref<819200xi32, #tpu.memory_space<hbm>> -> memref<25600xi32, #tpu.memory_space<hbm>>
      tpu.enqueue_dma source(%dma_start3A_89 : memref<25600xi32, #tpu.memory_space<hbm>>) target(%arg5 : memref<25600xi32, #tpu.memory_space<vmem>>) target_semaphore(%run_scoped3A : memref<!tpu.dma_semaphore, #tpu.memory_space<semaphore_mem>>)
      %dma_wait3A_90 = tpu.memref_slice %arg2[%mul3A_4] : memref<819200xi32, #tpu.memory_space<hbm>> -> memref<25600xi32, #tpu.memory_space<hbm>>
      %dma_wait3A_91 = tpu.memref_slice %arg2[%mul3A_4] : memref<819200xi32, #tpu.memory_space<hbm>> -> memref<25600xi32, #tpu.memory_space<hbm>>
      tpu.wait_dma2 semaphore(%run_scoped3A : memref<!tpu.dma_semaphore, #tpu.memory_space<semaphore_mem>>) src(%dma_wait3A_91 : memref<25600xi32, #tpu.memory_space<hbm>>) dst(%arg5 : memref<25600xi32, #tpu.memory_space<vmem>>)
      tpu.yield
    }) : () -> ()
    %dma_start3A = arith.constant 0 : i32
    %dma_start3A_5 = arith.constant 0 : i32
    %dma_start3A_6 = arith.constant 0 : i32
    %dma_start3A_7 = tpu.memref_slice %arg6[%dma_start3A, %dma_start3A_5, %dma_start3A_6] : memref<4x200x64xf32, #tpu.memory_space<vmem>> -> memref<1x200x64xf32, #tpu.memory_space<vmem>>
    %dma_start3A_8 = tpu.memref_squeeze %dma_start3A_7 : memref<1x200x64xf32, #tpu.memory_space<vmem>> -> memref<200x64xf32, #tpu.memory_space<vmem>>
    %dma_start3A_9 = arith.constant 0 : i32
    %dma_start3A_10 = tpu.memref_slice %arg5[%dma_start3A_9] : memref<25600xi32, #tpu.memory_space<vmem>> -> memref<200xi32, #tpu.memory_space<vmem>>
    %dma_start3A_11 = arith.constant 0 : i32
    %dma_start3A_12 = arith.constant 0 : i32
    %dma_start3A_13 = tpu.memref_slice %arg3[%dma_start3A_11, %dma_start3A_12] : memref<100000x64xf32, #tpu.memory_space<hbm>> -> memref<100000x64xf32, #tpu.memory_space<hbm>>
    tpu.enqueue_indirect_dma source(%dma_start3A_13 : memref<100000x64xf32, #tpu.memory_space<hbm>>) target(%dma_start3A_8 : memref<200x64xf32, #tpu.memory_space<vmem>>) offsets(%dma_start3A_10 : memref<200xi32, #tpu.memory_space<vmem>>) semaphore(%arg7 : memref<!tpu.dma_semaphore, #tpu.memory_space<semaphore_mem>>)
    %dma_start3A_14 = arith.constant 1 : i32
    %dma_start3A_15 = arith.constant 0 : i32
    %dma_start3A_16 = arith.constant 0 : i32
    %dma_start3A_17 = tpu.memref_slice %arg6[%dma_start3A_14, %dma_start3A_15, %dma_start3A_16] : memref<4x200x64xf32, #tpu.memory_space<vmem>> -> memref<1x200x64xf32, #tpu.memory_space<vmem>>
    %dma_start3A_18 = tpu.memref_squeeze %dma_start3A_17 : memref<1x200x64xf32, #tpu.memory_space<vmem>> -> memref<200x64xf32, #tpu.memory_space<vmem>>
    %dma_start3A_19 = arith.constant 200 : i32
    %dma_start3A_20 = tpu.memref_slice %arg5[%dma_start3A_19] : memref<25600xi32, #tpu.memory_space<vmem>> -> memref<200xi32, #tpu.memory_space<vmem>>
    %dma_start3A_21 = arith.constant 0 : i32
    %dma_start3A_22 = arith.constant 0 : i32
    %dma_start3A_23 = tpu.memref_slice %arg3[%dma_start3A_21, %dma_start3A_22] : memref<100000x64xf32, #tpu.memory_space<hbm>> -> memref<100000x64xf32, #tpu.memory_space<hbm>>
    tpu.enqueue_indirect_dma source(%dma_start3A_23 : memref<100000x64xf32, #tpu.memory_space<hbm>>) target(%dma_start3A_18 : memref<200x64xf32, #tpu.memory_space<vmem>>) offsets(%dma_start3A_20 : memref<200xi32, #tpu.memory_space<vmem>>) semaphore(%arg8 : memref<!tpu.dma_semaphore, #tpu.memory_space<semaphore_mem>>)
    %dma_start3A_24 = arith.constant 2 : i32
    %dma_start3A_25 = arith.constant 0 : i32
    %dma_start3A_26 = arith.constant 0 : i32
    %dma_start3A_27 = tpu.memref_slice %arg6[%dma_start3A_24, %dma_start3A_25, %dma_start3A_26] : memref<4x200x64xf32, #tpu.memory_space<vmem>> -> memref<1x200x64xf32, #tpu.memory_space<vmem>>
    %dma_start3A_28 = tpu.memref_squeeze %dma_start3A_27 : memref<1x200x64xf32, #tpu.memory_space<vmem>> -> memref<200x64xf32, #tpu.memory_space<vmem>>
    %dma_start3A_29 = arith.constant 400 : i32
    %dma_start3A_30 = tpu.memref_slice %arg5[%dma_start3A_29] : memref<25600xi32, #tpu.memory_space<vmem>> -> memref<200xi32, #tpu.memory_space<vmem>>
    %dma_start3A_31 = arith.constant 0 : i32
    %dma_start3A_32 = arith.constant 0 : i32
    %dma_start3A_33 = tpu.memref_slice %arg3[%dma_start3A_31, %dma_start3A_32] : memref<100000x64xf32, #tpu.memory_space<hbm>> -> memref<100000x64xf32, #tpu.memory_space<hbm>>
    tpu.enqueue_indirect_dma source(%dma_start3A_33 : memref<100000x64xf32, #tpu.memory_space<hbm>>) target(%dma_start3A_28 : memref<200x64xf32, #tpu.memory_space<vmem>>) offsets(%dma_start3A_30 : memref<200xi32, #tpu.memory_space<vmem>>) semaphore(%arg9 : memref<!tpu.dma_semaphore, #tpu.memory_space<semaphore_mem>>)
    %dma_start3A_34 = arith.constant 3 : i32
    %dma_start3A_35 = arith.constant 0 : i32
    %dma_start3A_36 = arith.constant 0 : i32
    %dma_start3A_37 = tpu.memref_slice %arg6[%dma_start3A_34, %dma_start3A_35, %dma_start3A_36] : memref<4x200x64xf32, #tpu.memory_space<vmem>> -> memref<1x200x64xf32, #tpu.memory_space<vmem>>
    %dma_start3A_38 = tpu.memref_squeeze %dma_start3A_37 : memref<1x200x64xf32, #tpu.memory_space<vmem>> -> memref<200x64xf32, #tpu.memory_space<vmem>>
    %dma_start3A_39 = arith.constant 600 : i32
    %dma_start3A_40 = tpu.memref_slice %arg5[%dma_start3A_39] : memref<25600xi32, #tpu.memory_space<vmem>> -> memref<200xi32, #tpu.memory_space<vmem>>
    %dma_start3A_41 = arith.constant 0 : i32
    %dma_start3A_42 = arith.constant 0 : i32
    %dma_start3A_43 = tpu.memref_slice %arg3[%dma_start3A_41, %dma_start3A_42] : memref<100000x64xf32, #tpu.memory_space<hbm>> -> memref<100000x64xf32, #tpu.memory_space<hbm>>
    tpu.enqueue_indirect_dma source(%dma_start3A_43 : memref<100000x64xf32, #tpu.memory_space<hbm>>) target(%dma_start3A_38 : memref<200x64xf32, #tpu.memory_space<vmem>>) offsets(%dma_start3A_40 : memref<200xi32, #tpu.memory_space<vmem>>) semaphore(%arg10 : memref<!tpu.dma_semaphore, #tpu.memory_space<semaphore_mem>>)
    %scan3A = arith.constant 0 : i32
    %scan3A_44 = arith.constant 0 : i32
    %scan3A_45 = arith.constant 32 : i32
    %scan3A_46 = arith.addi %scan3A_44, %scan3A_45 : i32
    %scan3A_47 = arith.constant 1 : i32
    scf.for %scan3A_88 = %scan3A_44 to %scan3A_46 step %scan3A_47  : i32 {
      %mul3A_89 = arith.constant 4 : i32
      %mul3A_90 = arith.muli %scan3A_88, %mul3A_89 : i32
      %dma_wait3A_91 = arith.constant 0 : i32
      %dma_wait3A_92 = arith.constant 0 : i32
      %dma_wait3A_93 = arith.constant 0 : i32
      %dma_wait3A_94 = tpu.memref_slice %arg6[%dma_wait3A_91, %dma_wait3A_92, %dma_wait3A_93] : memref<4x200x64xf32, #tpu.memory_space<vmem>> -> memref<1x200x64xf32, #tpu.memory_space<vmem>>
      %dma_wait3A_95 = tpu.memref_squeeze %dma_wait3A_94 : memref<1x200x64xf32, #tpu.memory_space<vmem>> -> memref<200x64xf32, #tpu.memory_space<vmem>>
      %dma_wait3A_96 = arith.constant 0 : i32
      %dma_wait3A_97 = tpu.memref_slice %arg5[%dma_wait3A_96] : memref<25600xi32, #tpu.memory_space<vmem>> -> memref<200xi32, #tpu.memory_space<vmem>>
      %dma_wait3A_98 = arith.constant 0 : i32
      %dma_wait3A_99 = arith.constant 0 : i32
      %dma_wait3A_100 = tpu.memref_slice %arg3[%dma_wait3A_98, %dma_wait3A_99] : memref<100000x64xf32, #tpu.memory_space<hbm>> -> memref<100000x64xf32, #tpu.memory_space<hbm>>
      tpu.wait_indirect_dma semaphore(%arg7 : memref<!tpu.dma_semaphore, #tpu.memory_space<semaphore_mem>>) src(%dma_wait3A_100 : memref<100000x64xf32, #tpu.memory_space<hbm>>) dst(%dma_wait3A_95 : memref<200x64xf32, #tpu.memory_space<vmem>>)
      %add3A_101 = arith.addi %mul3A_2, %mul3A_90 : i32
      %add3A_102 = arith.constant 0 : i32
      %add3A_103 = arith.addi %add3A_101, %add3A_102 : i32
      %dma_start3A_104 = arith.constant 0 : i32
      %dma_start3A_105 = arith.constant 0 : i32
      %dma_start3A_106 = arith.constant 0 : i32
      %dma_start3A_107 = tpu.memref_slice %arg6[%dma_start3A_104, %dma_start3A_105, %dma_start3A_106] : memref<4x200x64xf32, #tpu.memory_space<vmem>> -> memref<1x200x64xf32, #tpu.memory_space<vmem>>
      %dma_start3A_108 = tpu.memref_squeeze %dma_start3A_107 : memref<1x200x64xf32, #tpu.memory_space<vmem>> -> memref<200x64xf32, #tpu.memory_space<vmem>>
      %dma_start3A_109 = arith.constant 0 : i32
      %dma_start3A_110 = arith.constant 0 : i32
      %dma_start3A_111 = tpu.memref_slice %arg4[%add3A_103, %dma_start3A_109, %dma_start3A_110] : memref<4096x200x64xf32, #tpu.memory_space<hbm>> -> memref<1x200x64xf32, #tpu.memory_space<hbm>>
      %dma_start3A_112 = tpu.memref_squeeze %dma_start3A_111 : memref<1x200x64xf32, #tpu.memory_space<hbm>> -> memref<200x64xf32, #tpu.memory_space<hbm>>
      %dma_start3A_113 = arith.constant 0 : i32
      %dma_start3A_114 = arith.constant 0 : i32
      %dma_start3A_115 = tpu.memref_slice %arg4[%add3A_103, %dma_start3A_113, %dma_start3A_114] : memref<4096x200x64xf32, #tpu.memory_space<hbm>> -> memref<1x200x64xf32, #tpu.memory_space<hbm>>
      %dma_start3A_116 = tpu.memref_squeeze %dma_start3A_115 : memref<1x200x64xf32, #tpu.memory_space<hbm>> -> memref<200x64xf32, #tpu.memory_space<hbm>>
      %dma_start3A_117 = arith.constant 0 : i32
      %dma_start3A_118 = arith.constant 0 : i32
      %dma_start3A_119 = tpu.memref_slice %arg6[%dma_start3A_104, %dma_start3A_117, %dma_start3A_118] : memref<4x200x64xf32, #tpu.memory_space<vmem>> -> memref<1x200x64xf32, #tpu.memory_space<vmem>>
      %dma_start3A_120 = tpu.memref_squeeze %dma_start3A_119 : memref<1x200x64xf32, #tpu.memory_space<vmem>> -> memref<200x64xf32, #tpu.memory_space<vmem>>
      tpu.enqueue_dma source(%dma_start3A_120 : memref<200x64xf32, #tpu.memory_space<vmem>>) target(%dma_start3A_116 : memref<200x64xf32, #tpu.memory_space<hbm>>) target_semaphore(%arg11 : memref<!tpu.dma_semaphore, #tpu.memory_space<semaphore_mem>>)
      %dma_wait3A_121 = arith.constant 1 : i32
      %dma_wait3A_122 = arith.constant 0 : i32
      %dma_wait3A_123 = arith.constant 0 : i32
      %dma_wait3A_124 = tpu.memref_slice %arg6[%dma_wait3A_121, %dma_wait3A_122, %dma_wait3A_123] : memref<4x200x64xf32, #tpu.memory_space<vmem>> -> memref<1x200x64xf32, #tpu.memory_space<vmem>>
      %dma_wait3A_125 = tpu.memref_squeeze %dma_wait3A_124 : memref<1x200x64xf32, #tpu.memory_space<vmem>> -> memref<200x64xf32, #tpu.memory_space<vmem>>
      %dma_wait3A_126 = arith.constant 0 : i32
      %dma_wait3A_127 = tpu.memref_slice %arg5[%dma_wait3A_126] : memref<25600xi32, #tpu.memory_space<vmem>> -> memref<200xi32, #tpu.memory_space<vmem>>
      %dma_wait3A_128 = arith.constant 0 : i32
      %dma_wait3A_129 = arith.constant 0 : i32
      %dma_wait3A_130 = tpu.memref_slice %arg3[%dma_wait3A_128, %dma_wait3A_129] : memref<100000x64xf32, #tpu.memory_space<hbm>> -> memref<100000x64xf32, #tpu.memory_space<hbm>>
      tpu.wait_indirect_dma semaphore(%arg8 : memref<!tpu.dma_semaphore, #tpu.memory_space<semaphore_mem>>) src(%dma_wait3A_130 : memref<100000x64xf32, #tpu.memory_space<hbm>>) dst(%dma_wait3A_125 : memref<200x64xf32, #tpu.memory_space<vmem>>)
      %add3A_131 = arith.addi %mul3A_2, %mul3A_90 : i32
      %add3A_132 = arith.constant 1 : i32
      %add3A_133 = arith.addi %add3A_131, %add3A_132 : i32
      %dma_start3A_134 = arith.constant 1 : i32
      %dma_start3A_135 = arith.constant 0 : i32
      %dma_start3A_136 = arith.constant 0 : i32
      %dma_start3A_137 = tpu.memref_slice %arg6[%dma_start3A_134, %dma_start3A_135, %dma_start3A_136] : memref<4x200x64xf32, #tpu.memory_space<vmem>> -> memref<1x200x64xf32, #tpu.memory_space<vmem>>
      %dma_start3A_138 = tpu.memref_squeeze %dma_start3A_137 : memref<1x200x64xf32, #tpu.memory_space<vmem>> -> memref<200x64xf32, #tpu.memory_space<vmem>>
      %dma_start3A_139 = arith.constant 0 : i32
      %dma_start3A_140 = arith.constant 0 : i32
      %dma_start3A_141 = tpu.memref_slice %arg4[%add3A_133, %dma_start3A_139, %dma_start3A_140] : memref<4096x200x64xf32, #tpu.memory_space<hbm>> -> memref<1x200x64xf32, #tpu.memory_space<hbm>>
      %dma_start3A_142 = tpu.memref_squeeze %dma_start3A_141 : memref<1x200x64xf32, #tpu.memory_space<hbm>> -> memref<200x64xf32, #tpu.memory_space<hbm>>
      %dma_start3A_143 = arith.constant 0 : i32
      %dma_start3A_144 = arith.constant 0 : i32
      %dma_start3A_145 = tpu.memref_slice %arg4[%add3A_133, %dma_start3A_143, %dma_start3A_144] : memref<4096x200x64xf32, #tpu.memory_space<hbm>> -> memref<1x200x64xf32, #tpu.memory_space<hbm>>
      %dma_start3A_146 = tpu.memref_squeeze %dma_start3A_145 : memref<1x200x64xf32, #tpu.memory_space<hbm>> -> memref<200x64xf32, #tpu.memory_space<hbm>>
      %dma_start3A_147 = arith.constant 0 : i32
      %dma_start3A_148 = arith.constant 0 : i32
      %dma_start3A_149 = tpu.memref_slice %arg6[%dma_start3A_134, %dma_start3A_147, %dma_start3A_148] : memref<4x200x64xf32, #tpu.memory_space<vmem>> -> memref<1x200x64xf32, #tpu.memory_space<vmem>>
      %dma_start3A_150 = tpu.memref_squeeze %dma_start3A_149 : memref<1x200x64xf32, #tpu.memory_space<vmem>> -> memref<200x64xf32, #tpu.memory_space<vmem>>
      tpu.enqueue_dma source(%dma_start3A_150 : memref<200x64xf32, #tpu.memory_space<vmem>>) target(%dma_start3A_146 : memref<200x64xf32, #tpu.memory_space<hbm>>) target_semaphore(%arg12 : memref<!tpu.dma_semaphore, #tpu.memory_space<semaphore_mem>>)
      %dma_wait3A_151 = arith.constant 2 : i32
      %dma_wait3A_152 = arith.constant 0 : i32
      %dma_wait3A_153 = arith.constant 0 : i32
      %dma_wait3A_154 = tpu.memref_slice %arg6[%dma_wait3A_151, %dma_wait3A_152, %dma_wait3A_153] : memref<4x200x64xf32, #tpu.memory_space<vmem>> -> memref<1x200x64xf32, #tpu.memory_space<vmem>>
      %dma_wait3A_155 = tpu.memref_squeeze %dma_wait3A_154 : memref<1x200x64xf32, #tpu.memory_space<vmem>> -> memref<200x64xf32, #tpu.memory_space<vmem>>
      %dma_wait3A_156 = arith.constant 0 : i32
      %dma_wait3A_157 = tpu.memref_slice %arg5[%dma_wait3A_156] : memref<25600xi32, #tpu.memory_space<vmem>> -> memref<200xi32, #tpu.memory_space<vmem>>
      %dma_wait3A_158 = arith.constant 0 : i32
      %dma_wait3A_159 = arith.constant 0 : i32
      %dma_wait3A_160 = tpu.memref_slice %arg3[%dma_wait3A_158, %dma_wait3A_159] : memref<100000x64xf32, #tpu.memory_space<hbm>> -> memref<100000x64xf32, #tpu.memory_space<hbm>>
      tpu.wait_indirect_dma semaphore(%arg9 : memref<!tpu.dma_semaphore, #tpu.memory_space<semaphore_mem>>) src(%dma_wait3A_160 : memref<100000x64xf32, #tpu.memory_space<hbm>>) dst(%dma_wait3A_155 : memref<200x64xf32, #tpu.memory_space<vmem>>)
      %add3A_161 = arith.addi %mul3A_2, %mul3A_90 : i32
      %add3A_162 = arith.constant 2 : i32
      %add3A_163 = arith.addi %add3A_161, %add3A_162 : i32
      %dma_start3A_164 = arith.constant 2 : i32
      %dma_start3A_165 = arith.constant 0 : i32
      %dma_start3A_166 = arith.constant 0 : i32
      %dma_start3A_167 = tpu.memref_slice %arg6[%dma_start3A_164, %dma_start3A_165, %dma_start3A_166] : memref<4x200x64xf32, #tpu.memory_space<vmem>> -> memref<1x200x64xf32, #tpu.memory_space<vmem>>
      %dma_start3A_168 = tpu.memref_squeeze %dma_start3A_167 : memref<1x200x64xf32, #tpu.memory_space<vmem>> -> memref<200x64xf32, #tpu.memory_space<vmem>>
      %dma_start3A_169 = arith.constant 0 : i32
      %dma_start3A_170 = arith.constant 0 : i32
      %dma_start3A_171 = tpu.memref_slice %arg4[%add3A_163, %dma_start3A_169, %dma_start3A_170] : memref<4096x200x64xf32, #tpu.memory_space<hbm>> -> memref<1x200x64xf32, #tpu.memory_space<hbm>>
      %dma_start3A_172 = tpu.memref_squeeze %dma_start3A_171 : memref<1x200x64xf32, #tpu.memory_space<hbm>> -> memref<200x64xf32, #tpu.memory_space<hbm>>
      %dma_start3A_173 = arith.constant 0 : i32
      %dma_start3A_174 = arith.constant 0 : i32
      %dma_start3A_175 = tpu.memref_slice %arg4[%add3A_163, %dma_start3A_173, %dma_start3A_174] : memref<4096x200x64xf32, #tpu.memory_space<hbm>> -> memref<1x200x64xf32, #tpu.memory_space<hbm>>
      %dma_start3A_176 = tpu.memref_squeeze %dma_start3A_175 : memref<1x200x64xf32, #tpu.memory_space<hbm>> -> memref<200x64xf32, #tpu.memory_space<hbm>>
      %dma_start3A_177 = arith.constant 0 : i32
      %dma_start3A_178 = arith.constant 0 : i32
      %dma_start3A_179 = tpu.memref_slice %arg6[%dma_start3A_164, %dma_start3A_177, %dma_start3A_178] : memref<4x200x64xf32, #tpu.memory_space<vmem>> -> memref<1x200x64xf32, #tpu.memory_space<vmem>>
      %dma_start3A_180 = tpu.memref_squeeze %dma_start3A_179 : memref<1x200x64xf32, #tpu.memory_space<vmem>> -> memref<200x64xf32, #tpu.memory_space<vmem>>
      tpu.enqueue_dma source(%dma_start3A_180 : memref<200x64xf32, #tpu.memory_space<vmem>>) target(%dma_start3A_176 : memref<200x64xf32, #tpu.memory_space<hbm>>) target_semaphore(%arg13 : memref<!tpu.dma_semaphore, #tpu.memory_space<semaphore_mem>>)
      %dma_wait3A_181 = arith.constant 3 : i32
      %dma_wait3A_182 = arith.constant 0 : i32
      %dma_wait3A_183 = arith.constant 0 : i32
      %dma_wait3A_184 = tpu.memref_slice %arg6[%dma_wait3A_181, %dma_wait3A_182, %dma_wait3A_183] : memref<4x200x64xf32, #tpu.memory_space<vmem>> -> memref<1x200x64xf32, #tpu.memory_space<vmem>>
      %dma_wait3A_185 = tpu.memref_squeeze %dma_wait3A_184 : memref<1x200x64xf32, #tpu.memory_space<vmem>> -> memref<200x64xf32, #tpu.memory_space<vmem>>
      %dma_wait3A_186 = arith.constant 0 : i32
      %dma_wait3A_187 = tpu.memref_slice %arg5[%dma_wait3A_186] : memref<25600xi32, #tpu.memory_space<vmem>> -> memref<200xi32, #tpu.memory_space<vmem>>
      %dma_wait3A_188 = arith.constant 0 : i32
      %dma_wait3A_189 = arith.constant 0 : i32
      %dma_wait3A_190 = tpu.memref_slice %arg3[%dma_wait3A_188, %dma_wait3A_189] : memref<100000x64xf32, #tpu.memory_space<hbm>> -> memref<100000x64xf32, #tpu.memory_space<hbm>>
      tpu.wait_indirect_dma semaphore(%arg10 : memref<!tpu.dma_semaphore, #tpu.memory_space<semaphore_mem>>) src(%dma_wait3A_190 : memref<100000x64xf32, #tpu.memory_space<hbm>>) dst(%dma_wait3A_185 : memref<200x64xf32, #tpu.memory_space<vmem>>)
      %add3A_191 = arith.addi %mul3A_2, %mul3A_90 : i32
      %add3A_192 = arith.constant 3 : i32
      %add3A_193 = arith.addi %add3A_191, %add3A_192 : i32
      %dma_start3A_194 = arith.constant 3 : i32
      %dma_start3A_195 = arith.constant 0 : i32
      %dma_start3A_196 = arith.constant 0 : i32
      %dma_start3A_197 = tpu.memref_slice %arg6[%dma_start3A_194, %dma_start3A_195, %dma_start3A_196] : memref<4x200x64xf32, #tpu.memory_space<vmem>> -> memref<1x200x64xf32, #tpu.memory_space<vmem>>
      %dma_start3A_198 = tpu.memref_squeeze %dma_start3A_197 : memref<1x200x64xf32, #tpu.memory_space<vmem>> -> memref<200x64xf32, #tpu.memory_space<vmem>>
      %dma_start3A_199 = arith.constant 0 : i32
      %dma_start3A_200 = arith.constant 0 : i32
      %dma_start3A_201 = tpu.memref_slice %arg4[%add3A_193, %dma_start3A_199, %dma_start3A_200] : memref<4096x200x64xf32, #tpu.memory_space<hbm>> -> memref<1x200x64xf32, #tpu.memory_space<hbm>>
      %dma_start3A_202 = tpu.memref_squeeze %dma_start3A_201 : memref<1x200x64xf32, #tpu.memory_space<hbm>> -> memref<200x64xf32, #tpu.memory_space<hbm>>
      %dma_start3A_203 = arith.constant 0 : i32
      %dma_start3A_204 = arith.constant 0 : i32
      %dma_start3A_205 = tpu.memref_slice %arg4[%add3A_193, %dma_start3A_203, %dma_start3A_204] : memref<4096x200x64xf32, #tpu.memory_space<hbm>> -> memref<1x200x64xf32, #tpu.memory_space<hbm>>
      %dma_start3A_206 = tpu.memref_squeeze %dma_start3A_205 : memref<1x200x64xf32, #tpu.memory_space<hbm>> -> memref<200x64xf32, #tpu.memory_space<hbm>>
      %dma_start3A_207 = arith.constant 0 : i32
      %dma_start3A_208 = arith.constant 0 : i32
      %dma_start3A_209 = tpu.memref_slice %arg6[%dma_start3A_194, %dma_start3A_207, %dma_start3A_208] : memref<4x200x64xf32, #tpu.memory_space<vmem>> -> memref<1x200x64xf32, #tpu.memory_space<vmem>>
      %dma_start3A_210 = tpu.memref_squeeze %dma_start3A_209 : memref<1x200x64xf32, #tpu.memory_space<vmem>> -> memref<200x64xf32, #tpu.memory_space<vmem>>
      tpu.enqueue_dma source(%dma_start3A_210 : memref<200x64xf32, #tpu.memory_space<vmem>>) target(%dma_start3A_206 : memref<200x64xf32, #tpu.memory_space<hbm>>) target_semaphore(%arg14 : memref<!tpu.dma_semaphore, #tpu.memory_space<semaphore_mem>>)
      %dma_wait3A_211 = arith.constant 0 : i32
      %dma_wait3A_212 = arith.constant 0 : i32
      %dma_wait3A_213 = arith.constant 0 : i32
      %dma_wait3A_214 = tpu.memref_slice %arg6[%dma_wait3A_211, %dma_wait3A_212, %dma_wait3A_213] : memref<4x200x64xf32, #tpu.memory_space<vmem>> -> memref<1x200x64xf32, #tpu.memory_space<vmem>>
      %dma_wait3A_215 = tpu.memref_squeeze %dma_wait3A_214 : memref<1x200x64xf32, #tpu.memory_space<vmem>> -> memref<200x64xf32, #tpu.memory_space<vmem>>
      %dma_wait3A_216 = arith.constant 0 : i32
      %dma_wait3A_217 = arith.constant 0 : i32
      %dma_wait3A_218 = tpu.memref_slice %arg4[%mul3A_2, %dma_wait3A_216, %dma_wait3A_217] : memref<4096x200x64xf32, #tpu.memory_space<hbm>> -> memref<1x200x64xf32, #tpu.memory_space<hbm>>
      %dma_wait3A_219 = tpu.memref_squeeze %dma_wait3A_218 : memref<1x200x64xf32, #tpu.memory_space<hbm>> -> memref<200x64xf32, #tpu.memory_space<hbm>>
      %dma_wait3A_220 = arith.constant 0 : i32
      %dma_wait3A_221 = arith.constant 0 : i32
      %dma_wait3A_222 = tpu.memref_slice %arg4[%mul3A_2, %dma_wait3A_220, %dma_wait3A_221] : memref<4096x200x64xf32, #tpu.memory_space<hbm>> -> memref<1x200x64xf32, #tpu.memory_space<hbm>>
      %dma_wait3A_223 = tpu.memref_squeeze %dma_wait3A_222 : memref<1x200x64xf32, #tpu.memory_space<hbm>> -> memref<200x64xf32, #tpu.memory_space<hbm>>
      %dma_wait3A_224 = arith.constant 0 : i32
      %dma_wait3A_225 = arith.constant 0 : i32
      %dma_wait3A_226 = tpu.memref_slice %arg6[%dma_wait3A_211, %dma_wait3A_224, %dma_wait3A_225] : memref<4x200x64xf32, #tpu.memory_space<vmem>> -> memref<1x200x64xf32, #tpu.memory_space<vmem>>
      %dma_wait3A_227 = tpu.memref_squeeze %dma_wait3A_226 : memref<1x200x64xf32, #tpu.memory_space<vmem>> -> memref<200x64xf32, #tpu.memory_space<vmem>>
      tpu.wait_dma2 semaphore(%arg11 : memref<!tpu.dma_semaphore, #tpu.memory_space<semaphore_mem>>) src(%dma_wait3A_227 : memref<200x64xf32, #tpu.memory_space<vmem>>) dst(%dma_wait3A_223 : memref<200x64xf32, #tpu.memory_space<hbm>>)
      %add3A_228 = arith.constant 4 : i32
      %add3A_229 = arith.addi %mul3A_90, %add3A_228 : i32
      %add3A_230 = arith.constant 0 : i32
      %add3A_231 = arith.addi %add3A_229, %add3A_230 : i32
      %min3A = arith.constant 127 : i32
      %min3A_232 = arith.minsi %add3A_231, %min3A : i32
      %mul3A_233 = arith.constant 200 : i32
      %mul3A_234 = arith.muli %min3A_232, %mul3A_233 : i32
      %dma_start3A_235 = arith.constant 0 : i32
      %dma_start3A_236 = arith.constant 0 : i32
      %dma_start3A_237 = arith.constant 0 : i32
      %dma_start3A_238 = tpu.memref_slice %arg6[%dma_start3A_235, %dma_start3A_236, %dma_start3A_237] : memref<4x200x64xf32, #tpu.memory_space<vmem>> -> memref<1x200x64xf32, #tpu.memory_space<vmem>>
      %dma_start3A_239 = tpu.memref_squeeze %dma_start3A_238 : memref<1x200x64xf32, #tpu.memory_space<vmem>> -> memref<200x64xf32, #tpu.memory_space<vmem>>
      %dma_start3A_240 = tpu.memref_slice %arg5[%mul3A_234] : memref<25600xi32, #tpu.memory_space<vmem>> -> memref<200xi32, #tpu.memory_space<vmem>>
      %dma_start3A_241 = arith.constant 0 : i32
      %dma_start3A_242 = arith.constant 0 : i32
      %dma_start3A_243 = tpu.memref_slice %arg3[%dma_start3A_241, %dma_start3A_242] : memref<100000x64xf32, #tpu.memory_space<hbm>> -> memref<100000x64xf32, #tpu.memory_space<hbm>>
      tpu.enqueue_indirect_dma source(%dma_start3A_243 : memref<100000x64xf32, #tpu.memory_space<hbm>>) target(%dma_start3A_239 : memref<200x64xf32, #tpu.memory_space<vmem>>) offsets(%dma_start3A_240 : memref<200xi32, #tpu.memory_space<vmem>>) semaphore(%arg7 : memref<!tpu.dma_semaphore, #tpu.memory_space<semaphore_mem>>)
      %dma_wait3A_244 = arith.constant 1 : i32
      %dma_wait3A_245 = arith.constant 0 : i32
      %dma_wait3A_246 = arith.constant 0 : i32
      %dma_wait3A_247 = tpu.memref_slice %arg6[%dma_wait3A_244, %dma_wait3A_245, %dma_wait3A_246] : memref<4x200x64xf32, #tpu.memory_space<vmem>> -> memref<1x200x64xf32, #tpu.memory_space<vmem>>
      %dma_wait3A_248 = tpu.memref_squeeze %dma_wait3A_247 : memref<1x200x64xf32, #tpu.memory_space<vmem>> -> memref<200x64xf32, #tpu.memory_space<vmem>>
      %dma_wait3A_249 = arith.constant 0 : i32
      %dma_wait3A_250 = arith.constant 0 : i32
      %dma_wait3A_251 = tpu.memref_slice %arg4[%mul3A_2, %dma_wait3A_249, %dma_wait3A_250] : memref<4096x200x64xf32, #tpu.memory_space<hbm>> -> memref<1x200x64xf32, #tpu.memory_space<hbm>>
      %dma_wait3A_252 = tpu.memref_squeeze %dma_wait3A_251 : memref<1x200x64xf32, #tpu.memory_space<hbm>> -> memref<200x64xf32, #tpu.memory_space<hbm>>
      %dma_wait3A_253 = arith.constant 0 : i32
      %dma_wait3A_254 = arith.constant 0 : i32
      %dma_wait3A_255 = tpu.memref_slice %arg4[%mul3A_2, %dma_wait3A_253, %dma_wait3A_254] : memref<4096x200x64xf32, #tpu.memory_space<hbm>> -> memref<1x200x64xf32, #tpu.memory_space<hbm>>
      %dma_wait3A_256 = tpu.memref_squeeze %dma_wait3A_255 : memref<1x200x64xf32, #tpu.memory_space<hbm>> -> memref<200x64xf32, #tpu.memory_space<hbm>>
      %dma_wait3A_257 = arith.constant 0 : i32
      %dma_wait3A_258 = arith.constant 0 : i32
      %dma_wait3A_259 = tpu.memref_slice %arg6[%dma_wait3A_244, %dma_wait3A_257, %dma_wait3A_258] : memref<4x200x64xf32, #tpu.memory_space<vmem>> -> memref<1x200x64xf32, #tpu.memory_space<vmem>>
      %dma_wait3A_260 = tpu.memref_squeeze %dma_wait3A_259 : memref<1x200x64xf32, #tpu.memory_space<vmem>> -> memref<200x64xf32, #tpu.memory_space<vmem>>
      tpu.wait_dma2 semaphore(%arg12 : memref<!tpu.dma_semaphore, #tpu.memory_space<semaphore_mem>>) src(%dma_wait3A_260 : memref<200x64xf32, #tpu.memory_space<vmem>>) dst(%dma_wait3A_256 : memref<200x64xf32, #tpu.memory_space<hbm>>)
      %add3A_261 = arith.constant 4 : i32
      %add3A_262 = arith.addi %mul3A_90, %add3A_261 : i32
      %add3A_263 = arith.constant 1 : i32
      %add3A_264 = arith.addi %add3A_262, %add3A_263 : i32
      %min3A_265 = arith.constant 127 : i32
      %min3A_266 = arith.minsi %add3A_264, %min3A_265 : i32
      %mul3A_267 = arith.constant 200 : i32
      %mul3A_268 = arith.muli %min3A_266, %mul3A_267 : i32
      %dma_start3A_269 = arith.constant 1 : i32
      %dma_start3A_270 = arith.constant 0 : i32
      %dma_start3A_271 = arith.constant 0 : i32
      %dma_start3A_272 = tpu.memref_slice %arg6[%dma_start3A_269, %dma_start3A_270, %dma_start3A_271] : memref<4x200x64xf32, #tpu.memory_space<vmem>> -> memref<1x200x64xf32, #tpu.memory_space<vmem>>
      %dma_start3A_273 = tpu.memref_squeeze %dma_start3A_272 : memref<1x200x64xf32, #tpu.memory_space<vmem>> -> memref<200x64xf32, #tpu.memory_space<vmem>>
      %dma_start3A_274 = tpu.memref_slice %arg5[%mul3A_268] : memref<25600xi32, #tpu.memory_space<vmem>> -> memref<200xi32, #tpu.memory_space<vmem>>
      %dma_start3A_275 = arith.constant 0 : i32
      %dma_start3A_276 = arith.constant 0 : i32
      %dma_start3A_277 = tpu.memref_slice %arg3[%dma_start3A_275, %dma_start3A_276] : memref<100000x64xf32, #tpu.memory_space<hbm>> -> memref<100000x64xf32, #tpu.memory_space<hbm>>
      tpu.enqueue_indirect_dma source(%dma_start3A_277 : memref<100000x64xf32, #tpu.memory_space<hbm>>) target(%dma_start3A_273 : memref<200x64xf32, #tpu.memory_space<vmem>>) offsets(%dma_start3A_274 : memref<200xi32, #tpu.memory_space<vmem>>) semaphore(%arg8 : memref<!tpu.dma_semaphore, #tpu.memory_space<semaphore_mem>>)
      %dma_wait3A_278 = arith.constant 2 : i32
      %dma_wait3A_279 = arith.constant 0 : i32
      %dma_wait3A_280 = arith.constant 0 : i32
      %dma_wait3A_281 = tpu.memref_slice %arg6[%dma_wait3A_278, %dma_wait3A_279, %dma_wait3A_280] : memref<4x200x64xf32, #tpu.memory_space<vmem>> -> memref<1x200x64xf32, #tpu.memory_space<vmem>>
      %dma_wait3A_282 = tpu.memref_squeeze %dma_wait3A_281 : memref<1x200x64xf32, #tpu.memory_space<vmem>> -> memref<200x64xf32, #tpu.memory_space<vmem>>
      %dma_wait3A_283 = arith.constant 0 : i32
      %dma_wait3A_284 = arith.constant 0 : i32
      %dma_wait3A_285 = tpu.memref_slice %arg4[%mul3A_2, %dma_wait3A_283, %dma_wait3A_284] : memref<4096x200x64xf32, #tpu.memory_space<hbm>> -> memref<1x200x64xf32, #tpu.memory_space<hbm>>
      %dma_wait3A_286 = tpu.memref_squeeze %dma_wait3A_285 : memref<1x200x64xf32, #tpu.memory_space<hbm>> -> memref<200x64xf32, #tpu.memory_space<hbm>>
      %dma_wait3A_287 = arith.constant 0 : i32
      %dma_wait3A_288 = arith.constant 0 : i32
      %dma_wait3A_289 = tpu.memref_slice %arg4[%mul3A_2, %dma_wait3A_287, %dma_wait3A_288] : memref<4096x200x64xf32, #tpu.memory_space<hbm>> -> memref<1x200x64xf32, #tpu.memory_space<hbm>>
      %dma_wait3A_290 = tpu.memref_squeeze %dma_wait3A_289 : memref<1x200x64xf32, #tpu.memory_space<hbm>> -> memref<200x64xf32, #tpu.memory_space<hbm>>
      %dma_wait3A_291 = arith.constant 0 : i32
      %dma_wait3A_292 = arith.constant 0 : i32
      %dma_wait3A_293 = tpu.memref_slice %arg6[%dma_wait3A_278, %dma_wait3A_291, %dma_wait3A_292] : memref<4x200x64xf32, #tpu.memory_space<vmem>> -> memref<1x200x64xf32, #tpu.memory_space<vmem>>
      %dma_wait3A_294 = tpu.memref_squeeze %dma_wait3A_293 : memref<1x200x64xf32, #tpu.memory_space<vmem>> -> memref<200x64xf32, #tpu.memory_space<vmem>>
      tpu.wait_dma2 semaphore(%arg13 : memref<!tpu.dma_semaphore, #tpu.memory_space<semaphore_mem>>) src(%dma_wait3A_294 : memref<200x64xf32, #tpu.memory_space<vmem>>) dst(%dma_wait3A_290 : memref<200x64xf32, #tpu.memory_space<hbm>>)
      %add3A_295 = arith.constant 4 : i32
      %add3A_296 = arith.addi %mul3A_90, %add3A_295 : i32
      %add3A_297 = arith.constant 2 : i32
      %add3A_298 = arith.addi %add3A_296, %add3A_297 : i32
      %min3A_299 = arith.constant 127 : i32
      %min3A_300 = arith.minsi %add3A_298, %min3A_299 : i32
      %mul3A_301 = arith.constant 200 : i32
      %mul3A_302 = arith.muli %min3A_300, %mul3A_301 : i32
      %dma_start3A_303 = arith.constant 2 : i32
      %dma_start3A_304 = arith.constant 0 : i32
      %dma_start3A_305 = arith.constant 0 : i32
      %dma_start3A_306 = tpu.memref_slice %arg6[%dma_start3A_303, %dma_start3A_304, %dma_start3A_305] : memref<4x200x64xf32, #tpu.memory_space<vmem>> -> memref<1x200x64xf32, #tpu.memory_space<vmem>>
      %dma_start3A_307 = tpu.memref_squeeze %dma_start3A_306 : memref<1x200x64xf32, #tpu.memory_space<vmem>> -> memref<200x64xf32, #tpu.memory_space<vmem>>
      %dma_start3A_308 = tpu.memref_slice %arg5[%mul3A_302] : memref<25600xi32, #tpu.memory_space<vmem>> -> memref<200xi32, #tpu.memory_space<vmem>>
      %dma_start3A_309 = arith.constant 0 : i32
      %dma_start3A_310 = arith.constant 0 : i32
      %dma_start3A_311 = tpu.memref_slice %arg3[%dma_start3A_309, %dma_start3A_310] : memref<100000x64xf32, #tpu.memory_space<hbm>> -> memref<100000x64xf32, #tpu.memory_space<hbm>>
      tpu.enqueue_indirect_dma source(%dma_start3A_311 : memref<100000x64xf32, #tpu.memory_space<hbm>>) target(%dma_start3A_307 : memref<200x64xf32, #tpu.memory_space<vmem>>) offsets(%dma_start3A_308 : memref<200xi32, #tpu.memory_space<vmem>>) semaphore(%arg9 : memref<!tpu.dma_semaphore, #tpu.memory_space<semaphore_mem>>)
      %dma_wait3A_312 = arith.constant 3 : i32
      %dma_wait3A_313 = arith.constant 0 : i32
      %dma_wait3A_314 = arith.constant 0 : i32
      %dma_wait3A_315 = tpu.memref_slice %arg6[%dma_wait3A_312, %dma_wait3A_313, %dma_wait3A_314] : memref<4x200x64xf32, #tpu.memory_space<vmem>> -> memref<1x200x64xf32, #tpu.memory_space<vmem>>
      %dma_wait3A_316 = tpu.memref_squeeze %dma_wait3A_315 : memref<1x200x64xf32, #tpu.memory_space<vmem>> -> memref<200x64xf32, #tpu.memory_space<vmem>>
      %dma_wait3A_317 = arith.constant 0 : i32
      %dma_wait3A_318 = arith.constant 0 : i32
      %dma_wait3A_319 = tpu.memref_slice %arg4[%mul3A_2, %dma_wait3A_317, %dma_wait3A_318] : memref<4096x200x64xf32, #tpu.memory_space<hbm>> -> memref<1x200x64xf32, #tpu.memory_space<hbm>>
      %dma_wait3A_320 = tpu.memref_squeeze %dma_wait3A_319 : memref<1x200x64xf32, #tpu.memory_space<hbm>> -> memref<200x64xf32, #tpu.memory_space<hbm>>
      %dma_wait3A_321 = arith.constant 0 : i32
      %dma_wait3A_322 = arith.constant 0 : i32
      %dma_wait3A_323 = tpu.memref_slice %arg4[%mul3A_2, %dma_wait3A_321, %dma_wait3A_322] : memref<4096x200x64xf32, #tpu.memory_space<hbm>> -> memref<1x200x64xf32, #tpu.memory_space<hbm>>
      %dma_wait3A_324 = tpu.memref_squeeze %dma_wait3A_323 : memref<1x200x64xf32, #tpu.memory_space<hbm>> -> memref<200x64xf32, #tpu.memory_space<hbm>>
      %dma_wait3A_325 = arith.constant 0 : i32
      %dma_wait3A_326 = arith.constant 0 : i32
      %dma_wait3A_327 = tpu.memref_slice %arg6[%dma_wait3A_312, %dma_wait3A_325, %dma_wait3A_326] : memref<4x200x64xf32, #tpu.memory_space<vmem>> -> memref<1x200x64xf32, #tpu.memory_space<vmem>>
      %dma_wait3A_328 = tpu.memref_squeeze %dma_wait3A_327 : memref<1x200x64xf32, #tpu.memory_space<vmem>> -> memref<200x64xf32, #tpu.memory_space<vmem>>
      tpu.wait_dma2 semaphore(%arg14 : memref<!tpu.dma_semaphore, #tpu.memory_space<semaphore_mem>>) src(%dma_wait3A_328 : memref<200x64xf32, #tpu.memory_space<vmem>>) dst(%dma_wait3A_324 : memref<200x64xf32, #tpu.memory_space<hbm>>)
      %add3A_329 = arith.constant 4 : i32
      %add3A_330 = arith.addi %mul3A_90, %add3A_329 : i32
      %add3A_331 = arith.constant 3 : i32
      %add3A_332 = arith.addi %add3A_330, %add3A_331 : i32
      %min3A_333 = arith.constant 127 : i32
      %min3A_334 = arith.minsi %add3A_332, %min3A_333 : i32
      %mul3A_335 = arith.constant 200 : i32
      %mul3A_336 = arith.muli %min3A_334, %mul3A_335 : i32
      %dma_start3A_337 = arith.constant 3 : i32
      %dma_start3A_338 = arith.constant 0 : i32
      %dma_start3A_339 = arith.constant 0 : i32
      %dma_start3A_340 = tpu.memref_slice %arg6[%dma_start3A_337, %dma_start3A_338, %dma_start3A_339] : memref<4x200x64xf32, #tpu.memory_space<vmem>> -> memref<1x200x64xf32, #tpu.memory_space<vmem>>
      %dma_start3A_341 = tpu.memref_squeeze %dma_start3A_340 : memref<1x200x64xf32, #tpu.memory_space<vmem>> -> memref<200x64xf32, #tpu.memory_space<vmem>>
      %dma_start3A_342 = tpu.memref_slice %arg5[%mul3A_336] : memref<25600xi32, #tpu.memory_space<vmem>> -> memref<200xi32, #tpu.memory_space<vmem>>
      %dma_start3A_343 = arith.constant 0 : i32
      %dma_start3A_344 = arith.constant 0 : i32
      %dma_start3A_345 = tpu.memref_slice %arg3[%dma_start3A_343, %dma_start3A_344] : memref<100000x64xf32, #tpu.memory_space<hbm>> -> memref<100000x64xf32, #tpu.memory_space<hbm>>
      tpu.enqueue_indirect_dma source(%dma_start3A_345 : memref<100000x64xf32, #tpu.memory_space<hbm>>) target(%dma_start3A_341 : memref<200x64xf32, #tpu.memory_space<vmem>>) offsets(%dma_start3A_342 : memref<200xi32, #tpu.memory_space<vmem>>) semaphore(%arg10 : memref<!tpu.dma_semaphore, #tpu.memory_space<semaphore_mem>>)
    }
    %scan3A_48 = arith.constant 32 : i32
    %dma_wait3A = arith.constant 0 : i32
    %dma_wait3A_49 = arith.constant 0 : i32
    %dma_wait3A_50 = arith.constant 0 : i32
    %dma_wait3A_51 = tpu.memref_slice %arg6[%dma_wait3A, %dma_wait3A_49, %dma_wait3A_50] : memref<4x200x64xf32, #tpu.memory_space<vmem>> -> memref<1x200x64xf32, #tpu.memory_space<vmem>>
    %dma_wait3A_52 = tpu.memref_squeeze %dma_wait3A_51 : memref<1x200x64xf32, #tpu.memory_space<vmem>> -> memref<200x64xf32, #tpu.memory_space<vmem>>
    %dma_wait3A_53 = arith.constant 0 : i32
    %dma_wait3A_54 = tpu.memref_slice %arg5[%dma_wait3A_53] : memref<25600xi32, #tpu.memory_space<vmem>> -> memref<200xi32, #tpu.memory_space<vmem>>
    %dma_wait3A_55 = arith.constant 0 : i32
    %dma_wait3A_56 = arith.constant 0 : i32
    %dma_wait3A_57 = tpu.memref_slice %arg3[%dma_wait3A_55, %dma_wait3A_56] : memref<100000x64xf32, #tpu.memory_space<hbm>> -> memref<100000x64xf32, #tpu.memory_space<hbm>>
    tpu.wait_indirect_dma semaphore(%arg7 : memref<!tpu.dma_semaphore, #tpu.memory_space<semaphore_mem>>) src(%dma_wait3A_57 : memref<100000x64xf32, #tpu.memory_space<hbm>>) dst(%dma_wait3A_52 : memref<200x64xf32, #tpu.memory_space<vmem>>)
    %dma_wait3A_58 = arith.constant 1 : i32
    %dma_wait3A_59 = arith.constant 0 : i32
    %dma_wait3A_60 = arith.constant 0 : i32
    %dma_wait3A_61 = tpu.memref_slice %arg6[%dma_wait3A_58, %dma_wait3A_59, %dma_wait3A_60] : memref<4x200x64xf32, #tpu.memory_space<vmem>> -> memref<1x200x64xf32, #tpu.memory_space<vmem>>
    %dma_wait3A_62 = tpu.memref_squeeze %dma_wait3A_61 : memref<1x200x64xf32, #tpu.memory_space<vmem>> -> memref<200x64xf32, #tpu.memory_space<vmem>>
    %dma_wait3A_63 = arith.constant 0 : i32
    %dma_wait3A_64 = tpu.memref_slice %arg5[%dma_wait3A_63] : memref<25600xi32, #tpu.memory_space<vmem>> -> memref<200xi32, #tpu.memory_space<vmem>>
    %dma_wait3A_65 = arith.constant 0 : i32
    %dma_wait3A_66 = arith.constant 0 : i32
    %dma_wait3A_67 = tpu.memref_slice %arg3[%dma_wait3A_65, %dma_wait3A_66] : memref<100000x64xf32, #tpu.memory_space<hbm>> -> memref<100000x64xf32, #tpu.memory_space<hbm>>
    tpu.wait_indirect_dma semaphore(%arg8 : memref<!tpu.dma_semaphore, #tpu.memory_space<semaphore_mem>>) src(%dma_wait3A_67 : memref<100000x64xf32, #tpu.memory_space<hbm>>) dst(%dma_wait3A_62 : memref<200x64xf32, #tpu.memory_space<vmem>>)
    %dma_wait3A_68 = arith.constant 2 : i32
    %dma_wait3A_69 = arith.constant 0 : i32
    %dma_wait3A_70 = arith.constant 0 : i32
    %dma_wait3A_71 = tpu.memref_slice %arg6[%dma_wait3A_68, %dma_wait3A_69, %dma_wait3A_70] : memref<4x200x64xf32, #tpu.memory_space<vmem>> -> memref<1x200x64xf32, #tpu.memory_space<vmem>>
    %dma_wait3A_72 = tpu.memref_squeeze %dma_wait3A_71 : memref<1x200x64xf32, #tpu.memory_space<vmem>> -> memref<200x64xf32, #tpu.memory_space<vmem>>
    %dma_wait3A_73 = arith.constant 0 : i32
    %dma_wait3A_74 = tpu.memref_slice %arg5[%dma_wait3A_73] : memref<25600xi32, #tpu.memory_space<vmem>> -> memref<200xi32, #tpu.memory_space<vmem>>
    %dma_wait3A_75 = arith.constant 0 : i32
    %dma_wait3A_76 = arith.constant 0 : i32
    %dma_wait3A_77 = tpu.memref_slice %arg3[%dma_wait3A_75, %dma_wait3A_76] : memref<100000x64xf32, #tpu.memory_space<hbm>> -> memref<100000x64xf32, #tpu.memory_space<hbm>>
    tpu.wait_indirect_dma semaphore(%arg9 : memref<!tpu.dma_semaphore, #tpu.memory_space<semaphore_mem>>) src(%dma_wait3A_77 : memref<100000x64xf32, #tpu.memory_space<hbm>>) dst(%dma_wait3A_72 : memref<200x64xf32, #tpu.memory_space<vmem>>)
    %dma_wait3A_78 = arith.constant 3 : i32
    %dma_wait3A_79 = arith.constant 0 : i32
    %dma_wait3A_80 = arith.constant 0 : i32
    %dma_wait3A_81 = tpu.memref_slice %arg6[%dma_wait3A_78, %dma_wait3A_79, %dma_wait3A_80] : memref<4x200x64xf32, #tpu.memory_space<vmem>> -> memref<1x200x64xf32, #tpu.memory_space<vmem>>
    %dma_wait3A_82 = tpu.memref_squeeze %dma_wait3A_81 : memref<1x200x64xf32, #tpu.memory_space<vmem>> -> memref<200x64xf32, #tpu.memory_space<vmem>>
    %dma_wait3A_83 = arith.constant 0 : i32
    %dma_wait3A_84 = tpu.memref_slice %arg5[%dma_wait3A_83] : memref<25600xi32, #tpu.memory_space<vmem>> -> memref<200xi32, #tpu.memory_space<vmem>>
    %dma_wait3A_85 = arith.constant 0 : i32
    %dma_wait3A_86 = arith.constant 0 : i32
    %dma_wait3A_87 = tpu.memref_slice %arg3[%dma_wait3A_85, %dma_wait3A_86] : memref<100000x64xf32, #tpu.memory_space<hbm>> -> memref<100000x64xf32, #tpu.memory_space<hbm>>
    tpu.wait_indirect_dma semaphore(%arg10 : memref<!tpu.dma_semaphore, #tpu.memory_space<semaphore_mem>>) src(%dma_wait3A_87 : memref<100000x64xf32, #tpu.memory_space<hbm>>) dst(%dma_wait3A_82 : memref<200x64xf32, #tpu.memory_space<vmem>>)
    return
  }
}

</mosaic_0001>

<sc_bundles>
// kernel: kernel.3.cloned.1.call-start
scs
__scs_entry_jumppad:
0x0: {  	(pc) =	sbr.rel $0x88, $3  }
0x1: {  	(tag) =	ssettag $0x0;
	lr =	simm.s32 $0x1  }
0x2: {  	[smem:$0x3F9F] =	sst lr;
	_ =	strace $0xD0000000  }
0x3: {  	_ = 	snop  }
0x4: {  	_ = 	snop  }
0x5: {  	_ = 	snop  }
0x6: {  	_ = 	snop  }
0x7: {  	_ = 	snop  }
__scs_overlays_trampoline_lowered:
0x8: {  	[smem:$0x3FAE] =	sst s0  }
0x9: {  	[smem:$0x3FAF] =	sst s1  }
0xa: {  	[smem:$0x3FB0] =	sst s2  }
0xb: {  	[smem:$0x3FB1] =	sst s3  }
0xc: {  	[smem:$0x3FB2] =	sst s4  }
0xd: {  	[smem:$0x3FB3] =	sst s5  }
0xe: {  	[smem:$0x3FB4] =	sst s6  }
0xf: {  	[smem:$0x3FB5] =	sst s7  }
0x10: {  	[smem:$0x3FB6] =	sst s8  }
0x11: {  	[smem:$0x3FB7] =	sst s9;
	s0 =	simm.s32 @!p0 $0x0  }
0x12: {  	s1 =	sld [smem:$0x3F9D];
	s0 =	simm.s32 @p0 $0x1  }
0x13: {  	[smem:$0x3FB8] =	sst s0;
	s0 =	simm.s32 @!p1 $0x0  }
0x14: {  	s2 =	sld [smem:$0x3F9C];
	s0 =	simm.s32 @p1 $0x1  }
0x15: {  	[smem:$0x3FB9] =	sst s0;
	s0 =	simm.s32 @!p2 $0x0  }
0x16: {  	s3 =	sld [smem:$0x3FDB];
	s0 =	simm.s32 @p2 $0x1  }
0x17: {  	s4 =	simm.s32 $0x1BF5;
	[smem:$0x3FBB] =	sst s0  }
0x18: {  	s0 =	sld [smem:$0x3F9E];
	_ =	swait.ge [sflag:s4], $0x0  }
0x19: {  	s7 =	sld [smem:$0x3F9F]  }
0x1a: {  	s8 =	sadd.s32 $0xFFFFE003, lr  }
0x1b: {  	s9 =	sadd.s32 $0xFFFFFEF7, lr;
	s5 =	simm.s32 $0xFFFFFFFF;
	p2 =	slt.u32 s8, $0xFFFFF086  }
0x1c: {  	p1 =	slt.u32 s9, $0xF7A;
	s5 =	simm.s32 @!p2 $0x0  }
0x1d: {  	s5 =	simm.s32 @p1 $0x1;
	p0 =	seq.s32 s7, s2  }
0x1e: {  	s7 =	smul.u32 @!p0 $0xF7A, s2;
	p2 =	seq.s32 @!p0 s5, $0x0  }
0x1f: {  	s9 =	smul.u32 $0xF7A, s1;
	s8 =	simm.s32 @!p0 $0x1BF5;
	p2 =	por !p2, p0  }
0x20: {  	[sflag:s8] =	ssyncset.s32 @!p0 $0xFFFFF086;
	s6 =	sadd.s32 @!p0 s3, s7;
	s7 =	simm.s32 @!p0 $0x108  }
0x21: {  	s3 =	sadd.s32 s3, s9;
	s6 =	sadd.s32 @!p0 $0x88, s6;
	s7 =	simm.s32 @p2 $0x1082  }
0x22: {  	[simem:s7], [sflag:s8] =	dma.local @!p0 [hbm:s6], $0xF7A  }
0x23: {  	s9 =	sor.u32 $0xD0000000, s2;
	s6 =	simm.s32 $0x108;
	_ =	swait.ge @!p0 [sflag:s8], $0x0  }
0x24: {  	s3 =	sadd.s32 $0x88, s3;
	s6 =	simm.s32 @!p1 $0x1082;
	[sflag:s4] =	ssyncset.s32 $0xFFFFF086  }
0x25: {  	[simem:s6], [sflag:s4] =	dma.local [hbm:s3], $0xF7A  }
0x26: {  	[smem:$0x3F9F] =	sst s1;
	(tag) =	ssettag s2;
	_ =	strace s9  }
0x27: {  	s1 =	sld [smem:$0x3FAF]  }
0x28: {  	s2 =	sld [smem:$0x3FB0]  }
0x29: {  	s4 =	sld [smem:$0x3FB2]  }
0x2a: {  	p0 =	seq.s32 s5, $0x0;
	s5 =	sld [smem:$0x3FB3]  }
0x2b: {  	s6 =	sld [smem:$0x3FB4]  }
0x2c: {  	s7 =	sld [smem:$0x3FB5]  }
0x2d: {  	s3 =	simm.s32 $0x108;
	s8 =	sld [smem:$0x3FB6]  }
0x2e: {  	s3 =	simm.s32 @!p0 $0x1082;
	s9 =	sld [smem:$0x3FB7]  }
0x2f: {  	lr =	sadd.s32 s0, s3;
	s0 =	sld [smem:$0x3FAE]  }
0x30: {  	s3 =	sld [smem:$0x3FB1]  }
0x31: {  	[smem:$0x3FBA] =	sst s10  }
0x32: {  	s10 =	sld [smem:$0x3FB8];
	_ =	sdelay $0x3  }
0x33: {  	p0 =	seq.s32 s10, $0x1;
	s10 =	sld [smem:$0x3FBA];
	_ =	sdelay $0x3  }
0x34: {  	[smem:$0x3FBA] =	sst s10  }
0x35: {  	s10 =	sld [smem:$0x3FB9];
	_ =	sdelay $0x3  }
0x36: {  	p1 =	seq.s32 s10, $0x1;
	s10 =	sld [smem:$0x3FBA];
	_ =	sdelay $0x3  }
0x37: {  	[smem:$0x3FBA] =	sst s10  }
0x38: {  	s10 =	sld [smem:$0x3FBB]  }
0x39: {  	_ = 	snop;
	(pc) =	sbr.ind lr, $3  }
0x3a: {  	_ = 	snop  }
0x3b: {  	_ = 	snop  }
0x3c: {  	p2 =	seq.s32 s10, $0x1;
	s10 =	sld [smem:$0x3FBA]  }
0x3d: {  	_ =	shalt  }
0x3e: {  	_ =	shalt  }
0x3f: {  	_ =	shalt  }
0x40: {  	_ =	shalt  }
0x41: {  	_ =	shalt  }
0x42: {  	_ =	shalt  }
0x43: {  	_ =	shalt  }
0x44: {  	_ =	shalt  }
0x45: {  	_ =	shalt  }
0x46: {  	_ =	shalt  }
0x47: {  	_ =	shalt  }
0x48: {  	_ =	shalt  }
0x49: {  	_ =	shalt  }
0x4a: {  	_ =	shalt  }
0x4b: {  	_ =	shalt  }
0x4c: {  	_ =	shalt  }
0x4d: {  	_ =	shalt  }
0x4e: {  	_ =	shalt  }
0x4f: {  	_ =	shalt  }
0x50: {  	_ =	shalt  }
0x51: {  	_ =	shalt  }
0x52: {  	_ =	shalt  }
0x53: {  	_ =	shalt  }
0x54: {  	_ =	shalt  }
0x55: {  	_ =	shalt  }
0x56: {  	_ =	shalt  }
0x57: {  	_ =	shalt  }
0x58: {  	_ =	shalt  }
0x59: {  	_ =	shalt  }
0x5a: {  	_ =	shalt  }
0x5b: {  	_ =	shalt  }
0x5c: {  	_ =	shalt  }
0x5d: {  	_ =	shalt  }
0x5e: {  	_ =	shalt  }
0x5f: {  	_ =	shalt  }
0x60: {  	_ =	shalt  }
0x61: {  	_ =	shalt  }
0x62: {  	_ =	shalt  }
0x63: {  	_ =	shalt  }
0x64: {  	_ =	shalt  }
0x65: {  	_ =	shalt  }
0x66: {  	_ =	shalt  }
0x67: {  	_ =	shalt  }
0x68: {  	_ =	shalt  }
0x69: {  	_ =	shalt  }
0x6a: {  	_ =	shalt  }
0x6b: {  	_ =	shalt  }
0x6c: {  	_ =	shalt  }
0x6d: {  	_ =	shalt  }
0x6e: {  	_ =	shalt  }
0x6f: {  	_ =	shalt  }
0x70: {  	_ =	shalt  }
0x71: {  	_ =	shalt  }
0x72: {  	_ =	shalt  }
0x73: {  	_ =	shalt  }
0x74: {  	_ =	shalt  }
0x75: {  	_ =	shalt  }
0x76: {  	_ =	shalt  }
0x77: {  	_ =	shalt  }
0x78: {  	_ =	shalt  }
0x79: {  	_ =	shalt  }
0x7a: {  	_ =	shalt  }
0x7b: {  	_ =	shalt  }
0x7c: {  	_ =	shalt  }
0x7d: {  	_ =	shalt  }
0x7e: {  	_ =	shalt  }
0x7f: {  	_ =	shalt  }
0x80: {  	_ =	shalt  }
0x81: {  	_ =	shalt  }
0x82: {  	_ =	shalt  }
0x83: {  	_ =	shalt  }
0x84: {  	_ =	shalt  }
0x85: {  	_ =	shalt  }
0x86: {  	_ =	shalt  }
0x87: {  	_ =	shalt  }
.Lfunc_end0:
.L_simem_size_0:
called_computation.1_lowered:
.L_overlay_start_0:
0x88: {  	s2 =	sld [smem:$0x3FD9]  }
0x89: {  	s3 =	sld [smem:$0x3FFE];
	_ =	sdelay $0x1  }
0x8a: {  	s1 =	srdreg.scid  }
0x8b: {  	s0 =	sand.u32 $0x1, s1  }
0x8c: {  	s17 =	sshll.u32 s0, $0xA;
	s2 =	sadd.s32 s3, s2  }
0x8d: {  	s2 =	sadd.s32 s2, s17  }
0x8e: {  	[smem:$0x3FC6] =	sst s2  }
0x8f: {  	_ = 	snop  }
0x90: {  	s2 =	sld [smem:$0x3FD0];
	(tm) =	ssettm $0x1  }
0x91: {  	s18 =	sld [smem:$0x3FFB];
	_ =	sdelay $0x3  }
0x92: {  	_ =	strace s18  }
0x93: {  	s3 =	sld [smem:$0x3FFC];
	_ =	sdelay $0x3  }
0x94: {  	_ =	strace s3  }
0x95: {  	s3 =	sld [smem:$0x3FFD];
	_ =	sdelay $0x3  }
0x96: {  	_ =	strace s3  }
0x97: {  	_ =	strace $0x8FFFFFFF  }
0x98: {  	s19 =	sld [smem:$0x3FDB];
	_ =	sdelay $0x1  }
0x99: {  	s4 =	simm.s32 $_scs_section_size  }
0x9a: {  	s5 =	simm.s32 $_size__tile_overlayer_lowered;
	s6 =	simm.s32 $_tile_overlayer_lowered  }
0x9b: {  	s22 =	simm.s32 $0x1BFF;
	s21 =	sshll.u32 s6, $0x1;
	s3 =	sadd.s32 s4, s19  }
0x9c: {  	s7 =	simm.s32 $0x0;
	s20 =	sshll.u32 s5, $0x1;
	s5 =	sadd.s32 s21, s3  }
0x9d: {  	[timem:s7], [sflag:s22] =	dma.local [hbm:s5], s20  }
0x9e: {  	_ =	swait.ge [sflag:s22], s20  }
0x9f: {  	s4 =	ssub.s32 $0x0, s20;
	[sflag:s22] =	ssyncset.done $0x0  }
0xa0: {  	[sflag:s22] =	ssyncadd.s32 s4;
	_ =	sdelay $0x1  }
0xa1: {  	s23 =	simm.s32 $0x1B8B  }
0xa2: {  	_ =	swait.ge [sflag:s23], $0x1  }
0xa3: {  	[sflag:s23] =	ssyncset.done $0x0  }
0xa4: {  	s25 =	simm.s32 $0x1B8E;
	s24 =	sld [smem:$0x3FFE];
	[sflag:s23] =	ssyncadd.s32 $0xFFFFFFFF  }
0xa5: {  	s26 =	simm.s32 $execute0_lowered;
	[smem:$0x3FD2] =	sst s25  }
0xa6: {  	s5 =	sshll.u32 s26, $0x1;
	_ =	strace $0x80000046;
	[dreg:$0x1] =	wrdreg $0xFFFFFFFF  }
0xa7: {  	s28 =	simm.s32 $_size_execute0_lowered;
	s3 =	sadd.s32 s3, s5;
	[dreg:$0x0] =	wrdreg $0x0  }
0xa8: {  	s5 =	sshll.u32 s28, $0x1;
	[dreg:$0x2] =	wrdreg s3  }
0xa9: {  	[dreg:$0x3] =	wrdreg s5  }
0xaa: {  	[dreg:$0x4] =	wrdreg $0xC0  }
0xab: {  	_ =	task [dreg:s7], $0x5FFFF  }
0xac: {  	[dreg:$0x1] =	wrdreg $0xFFFFFFFF  }
0xad: {  	[dreg:$0x0] =	wrdreg $0x60  }
0xae: {  	[dreg:$0x2] =	wrdreg s24  }
0xaf: {  	[dreg:$0x3] =	wrdreg s2  }
0xb0: {  	[dreg:$0x4] =	wrdreg $0x9  }
0xb1: {  	_ =	task.clear_ibuf [dreg:s7], $0x5FFFF;
	_ =	strace $0x90000046  }
0xb2: {  	s29 =	simm.s32 $0x9;
	_ =	strace $0x80000048  }
0xb3: {  	_ =	swait.ge [sflag:s29], $0x1  }
0xb4: {  	[sflag:s29] =	ssyncadd.s32 $0xFFFFFFFF  }
0xb5: {  	_ =	strace $0x90000048  }
0xb6: {  	_ =	sfence  }
0xb7: {  	s30 =	sld [smem:$0x0];
	_ =	sdelay $0x2  }
0xb8: {  	s31 =	sshll.u32 s1, $0xD;
	s1 =	sshrl.u32 s1, $0x2  }
0xb9: {  	s3 =	sand.u32 $0x4000, s31;
	s1 =	sadd.s32 s1, s30  }
0xba: {  	s0 =	sor.u32 s3, s0;
	s1 =	sshll.u32 s1, $0x11  }
0xbb: {  	s0 =	sor.u32 s1, s0  }
0xbc: {  	s0 =	sadd.s32 $0x8F2B, s0  }
0xbd: {  	[sflag:s0] =	ssyncadd.remote.s32 $0x1  }
0xbe: {  	_ =	sfence.sel $0xFFFF  }
0xbf: {  	[dreg:$0x0] =	wrdreg $0xFFFFFFFF;
	(pc) =	sbr.abs _section_cstart, $3  }
0xc0: {  	[dreg:$0x1] =	wrdreg $0xFFFFFFFF  }
0xc1: {  	_ =	task.clear_ibuf [dreg:s7], $0x2FFFF;
	_ =	strace $0x9FFFFFFF  }
0xc2: {  	(tm) =	ssettm $0x7FFFFFFF  }
0xc3: {  	_ =	shalt  }
tec
execute0_lowered:
.L_overlay_start_1:
0x0: {  	(tag) =	ssettag $0x1  }
0x1: {  	s0 =	srdreg.scid;
	s1 =	rddreg [dreg:$0x0]  }
0x2: {  	s10 =	stileid.u32;
	s4 =	rddreg [dreg:$0x1];
	s28 =	simm.s32 $0x2  }
0x3: {  	s29 =	simm.s32 $0x3;
	s30 =	simm.s32 $0x4;
	s17 =	smul.u32 $0x320000, s10  }
0x4: {  	s0 =	sand.u32 $0x1, s0;
	s2 =	sshll.u32 s10, $0x1;
	s25 =	smul.u32 $0x64000, s10  }
0x5: {  	s31 =	simm.s32 $0x5;
	s3 =	sor.u32 s0, s2;
	s18 =	smul.u32 $0x190000, s0  }
0x6: {  	s2 =	simm.s32 $0x0;
	s14 =	ssub.s32 $0x2, s0;
	s0 =	smul.u32 $0x32000, s0  }
0x7: {  	s5 =	smul.u32 $0xC80, s3;
	[smem:$0x7FF] =	sst s2;
	s6 =	sshll.u32 s3, $0x7  }
0x8: {  	s3 =	sadd.s32 $0x19800, s1;
	s9 =	sshrl.u32 s14, $0x1;
	s7 =	sor.u32 $0x7C, s6  }
0x9: {  	_ =	strace $0x80000047;
	s6 =	sor.u32 $0x78, s6;
	s8 =	smul.u32 $0x640, s7  }
0xa: {  	s22 =	sadd.s32 s18, s17;
	s18 =	simm.s32 $0x9;
	s7 =	smul.u32 $0x3200, s7  }
0xb: {  	s5 =	sadd.s32 s5, s1;
	s1 =	ssub.s32 s14, s9;
	s15 =	smul.u32 $0x3200, s6  }
0xc: {  	s6 =	smul.u32 $0x640, s6;
	s23 =	sor.u32 $0x9600, s22;
	s5 =	sadd.s32 $0x800, s5  }
0xd: {  	s26 =	sor.u32 $0x6400, s22;
	s1 =	smax.u32 s1, $0x1;
	[dreg:$0x3] =	wrdreg s5  }
0xe: {  	[dreg:$0x4] =	wrdreg s1;
	s16 =	sshrl.u32 s7, $0x3;
	s8 =	sadd.s32 s4, s8  }
0xf: {  	s21 =	sshrl.u32 s15, $0x3;
	s6 =	sadd.s32 s4, s6;
	s5 =	sor.u32 $0x3200, s22  }
0x10: {  	s22 =	simm.s32 $0x8;
	[dreg:$0x5] =	wrdreg s8;
	s1 =	sadd.s32 s4, s16  }
0x11: {  	[dreg:$0x9] =	wrdreg s6;
	s6 =	sshrl.u32 s23, $0x3;
	s5 =	sshrl.u32 s5, $0x3  }
0x12: {  	s23 =	simm.s32 $0xC800;
	s19 =	sadd.s32 $0x640, s1;
	s20 =	sadd.s32 $0xC80, s1  }
0x13: {  	s1 =	sadd.s32 $0x12C0, s1;
	s14 =	sadd.s32 s6, s4;
	[dreg:$0x6] =	wrdreg s19  }
0x14: {  	s6 =	sshrl.u32 s26, $0x3;
	s16 =	sadd.s32 s5, s4;
	[dreg:$0x7] =	wrdreg s20  }
0x15: {  	s26 =	simm.s32 $0x1;
	[dreg:$0x8] =	wrdreg s1;
	s1 =	sadd.s32 s4, s21  }
0x16: {  	s15 =	sadd.s32 s6, s4;
	s19 =	simm.s32 $0xC8;
	s20 =	simm.s32 $0x6400  }
0x17: {  	s21 =	simm.s32 $0x9600;
	s24 =	sadd.s32 $0x640, s1;
	s12 =	sadd.s32 $0xC80, s1  }
0x18: {  	s13 =	sadd.s32 $0x12C0, s1;
	s1 =	sadd.s32 s25, s4;
	s25 =	simm.s32 $0xFA00  }
0x19: {  	s4 =	simm.s32 $0x0;
	[dreg:$0xa] =	wrdreg s24;
	s17 =	sadd.s32 s0, s1  }
0x1a: {  	s1 =	simm.s32 $0x6;
	s0 =	simm.s32 $0x7;
	s24 =	simm.s32 $0x6338  }
.LBB2_1:
0x1b: {  	s5 =	rddreg [dreg:$0x3]  }
0x1c: {  	[tilespmem:s2], [sflag:$0x9] =	stream.linear.gather [hbm4b:s5+s2], $0x6400, $0x38;
	[tilespmem:$0x12C00] =	vst v63  }
0x1d: {  	_ =	swait.ge [sflag:s18], $0x6400  }
0x1e: {  	[sflag:s18] =	ssyncset.done $0x0  }
0x1f: {  	[sflag:s18] =	ssyncadd.s32 $0xFFFF9C00  }
0x20: {  	[tilespmem:s20], [sflag:$0x1] =	stream.indirect.gather [hbm4b:s3+s19], $0x40, s2, s19, $0xb8;
	[tilespmem:$0x12C00] =	vst v63  }
0x21: {  	_ = 	snop  }
0x22: {  	[tilespmem:s21], [sflag:$0x2] =	stream.indirect.gather [hbm4b:s3+s19], $0x40, s19, s19, $0xb8;
	[tilespmem:$0x12C00] =	vst v63  }
0x23: {  	s7 =	simm.s32 $0x190  }
0x24: {  	[tilespmem:s23], [sflag:$0x3] =	stream.indirect.gather [hbm4b:s3+s19], $0x40, s7, s19, $0xb8;
	[tilespmem:$0x12C00] =	vst v63  }
0x25: {  	s8 =	simm.s32 $0x258  }
0x26: {  	[tilespmem:s25], [sflag:$0x4] =	stream.indirect.gather [hbm4b:s3+s19], $0x40, s8, s19, $0xb8;
	[tilespmem:$0x12C00] =	vst v63  }
0x27: {  	_ =	swait.ge [sflag:s26], $0x3200  }
0x28: {  	[sflag:s26] =	ssyncset.done $0x0  }
0x29: {  	[sflag:s26] =	ssyncadd.s32 $0xFFFFCE00  }
0x2a: {  	[hbm4b:s17+s2] =	stream.linear.scatter [tilespmem:s20], [sflag:$0x5], $0x3200, $0x38;
	[tilespmem:$0x12C00] =	vst v63  }
0x2b: {  	_ =	swait.ge [sflag:s28], $0x3200  }
0x2c: {  	[sflag:s28] =	ssyncset.done $0x0  }
0x2d: {  	[sflag:s28] =	ssyncadd.s32 $0xFFFFCE00  }
0x2e: {  	[hbm4b:s16+s2] =	stream.linear.scatter [tilespmem:s21], [sflag:$0x6], $0x3200, $0x38;
	[tilespmem:$0x12C00] =	vst v63  }
0x2f: {  	_ =	swait.ge [sflag:s29], $0x3200  }
0x30: {  	[sflag:s29] =	ssyncset.done $0x0  }
0x31: {  	[sflag:s29] =	ssyncadd.s32 $0xFFFFCE00  }
0x32: {  	[hbm4b:s15+s2] =	stream.linear.scatter [tilespmem:s23], [sflag:$0x7], $0x3200, $0x38;
	[tilespmem:$0x12C00] =	vst v63  }
0x33: {  	_ =	swait.ge [sflag:s30], $0x3200  }
0x34: {  	[sflag:s30] =	ssyncset.done $0x0  }
0x35: {  	[sflag:s30] =	ssyncadd.s32 $0xFFFFCE00  }
0x36: {  	[hbm4b:s14+s2] =	stream.linear.scatter [tilespmem:s25], [sflag:$0x8], $0x3200, $0x38;
	[tilespmem:$0x12C00] =	vst v63  }
0x37: {  	_ =	swait.ge [sflag:s31], $0x3200  }
0x38: {  	[sflag:s31] =	ssyncset.done $0x0  }
0x39: {  	s9 =	simm.s32 $0x320;
	[sflag:s31] =	ssyncadd.s32 $0xFFFFCE00  }
0x3a: {  	[tilespmem:s20], [sflag:$0x1] =	stream.indirect.gather [hbm4b:s3+s19], $0x40, s9, s19, $0xb8;
	[tilespmem:$0x12C00] =	vst v63  }
0x3b: {  	_ =	swait.ge [sflag:s1], $0x3200  }
0x3c: {  	[sflag:s1] =	ssyncset.done $0x0  }
0x3d: {  	s10 =	simm.s32 $0x3E8;
	[sflag:s1] =	ssyncadd.s32 $0xFFFFCE00  }
0x3e: {  	[tilespmem:s21], [sflag:$0x2] =	stream.indirect.gather [hbm4b:s3+s19], $0x40, s10, s19, $0xb8;
	[tilespmem:$0x12C00] =	vst v63  }
0x3f: {  	_ =	swait.ge [sflag:s0], $0x3200  }
0x40: {  	[sflag:s0] =	ssyncset.done $0x0  }
0x41: {  	s11 =	simm.s32 $0x4B0;
	[sflag:s0] =	ssyncadd.s32 $0xFFFFCE00  }
0x42: {  	[tilespmem:s23], [sflag:$0x3] =	stream.indirect.gather [hbm4b:s3+s19], $0x40, s11, s19, $0xb8;
	[tilespmem:$0x12C00] =	vst v63  }
0x43: {  	s6 =	sadd.s32 $0x1900, s17;
	s5 =	simm.s32 $0xC80;
	_ =	swait.ge [sflag:s22], $0x3200  }
0x44: {  	s7 =	sadd.s32 $0x1900, s15;
	s8 =	sadd.s32 $0x1900, s16;
	[sflag:s22] =	ssyncset.done $0x0  }
0x45: {  	s9 =	sadd.s32 $0x1900, s14;
	s10 =	simm.s32 $0x578;
	[sflag:s22] =	ssyncadd.s32 $0xFFFFCE00  }
.LBB2_2:
0x46: {  	[tilespmem:s25], [sflag:$0x4] =	stream.indirect.gather [hbm4b:s3+s19], $0x40, s10, s19, $0xb8;
	[tilespmem:$0x12C00] =	vst v63  }
0x47: {  	s10 =	smov.u32 s5  }
0x48: {  	p0 =	sne.s32 s5, $0x16A80;
	s5 =	sadd.s32 $0xC80, s5;
	_ =	swait.ge [sflag:s26], $0x3200  }
0x49: {  	[sflag:s26] =	ssyncset.done $0x0  }
0x4a: {  	[sflag:s26] =	ssyncadd.s32 $0xFFFFCE00  }
0x4b: {  	[hbm4b:s6+s2] =	stream.linear.scatter [tilespmem:s20], [sflag:$0x5], $0x3200, $0x38;
	[tilespmem:$0x12C00] =	vst v63  }
0x4c: {  	_ =	swait.ge [sflag:s28], $0x3200  }
0x4d: {  	[sflag:s28] =	ssyncset.done $0x0  }
0x4e: {  	[sflag:s28] =	ssyncadd.s32 $0xFFFFCE00  }
0x4f: {  	[hbm4b:s8+s2] =	stream.linear.scatter [tilespmem:s21], [sflag:$0x6], $0x3200, $0x38;
	[tilespmem:$0x12C00] =	vst v63  }
0x50: {  	_ =	swait.ge [sflag:s29], $0x3200  }
0x51: {  	[sflag:s29] =	ssyncset.done $0x0  }
0x52: {  	[sflag:s29] =	ssyncadd.s32 $0xFFFFCE00  }
0x53: {  	[hbm4b:s7+s2] =	stream.linear.scatter [tilespmem:s23], [sflag:$0x7], $0x3200, $0x38;
	[tilespmem:$0x12C00] =	vst v63  }
0x54: {  	_ =	swait.ge [sflag:s30], $0x3200  }
0x55: {  	[sflag:s30] =	ssyncset.done $0x0  }
0x56: {  	[sflag:s30] =	ssyncadd.s32 $0xFFFFCE00  }
0x57: {  	[hbm4b:s9+s2] =	stream.linear.scatter [tilespmem:s25], [sflag:$0x8], $0x3200, $0x38;
	[tilespmem:$0x12C00] =	vst v63  }
0x58: {  	_ =	swait.ge [sflag:s31], $0x3200  }
0x59: {  	s10 =	sshra.s32 s10, $0x2;
	[sflag:s31] =	ssyncset.done $0x0  }
0x5a: {  	s11 =	sadd.s32 $0x320, s10;
	[sflag:s31] =	ssyncadd.s32 $0xFFFFCE00  }
0x5b: {  	[tilespmem:s20], [sflag:$0x1] =	stream.indirect.gather [hbm4b:s3+s19], $0x40, s11, s19, $0xb8;
	[tilespmem:$0x12C00] =	vst v63  }
0x5c: {  	_ =	swait.ge [sflag:s1], $0x3200  }
0x5d: {  	[sflag:s1] =	ssyncset.done $0x0  }
0x5e: {  	s11 =	sadd.s32 $0x3E8, s10;
	[sflag:s1] =	ssyncadd.s32 $0xFFFFCE00  }
0x5f: {  	[tilespmem:s21], [sflag:$0x2] =	stream.indirect.gather [hbm4b:s3+s19], $0x40, s11, s19, $0xb8;
	[tilespmem:$0x12C00] =	vst v63  }
0x60: {  	_ =	swait.ge [sflag:s0], $0x3200  }
0x61: {  	[sflag:s0] =	ssyncset.done $0x0  }
.Ltmp0:
0x62: {  	s11 =	sadd.s32 $0x4B0, s10;
	[sflag:s0] =	ssyncadd.s32 $0xFFFFCE00;
	(pc) =	sbr.rel @p0 .LBB2_2-.Ltmp0, $4  }
0x63: {  	[tilespmem:s23], [sflag:$0x3] =	stream.indirect.gather [hbm4b:s3+s19], $0x40, s11, s19, $0xb8;
	[tilespmem:$0x12C00] =	vst v63  }
0x64: {  	s6 =	sadd.s32 $0x1900, s6;
	_ =	swait.ge [sflag:s22], $0x3200  }
0x65: {  	s8 =	sadd.s32 $0x1900, s8;
	s7 =	sadd.s32 $0x1900, s7;
	[sflag:s22] =	ssyncset.done $0x0  }
0x66: {  	s9 =	sadd.s32 $0x1900, s9;
	s10 =	sadd.s32 $0x578, s10;
	[sflag:s22] =	ssyncadd.s32 $0xFFFFCE00  }
0x67: {  	[tilespmem:s25], [sflag:$0x4] =	stream.indirect.gather [hbm4b:s3+s19], $0x40, s10, s19, $0xb8;
	[tilespmem:$0x12C00] =	vst v63  }
0x68: {  	_ =	swait.ge [sflag:s26], $0x3200  }
0x69: {  	[sflag:s26] =	ssyncset.done $0x0  }
0x6a: {  	s5 =	rddreg [dreg:$0x9];
	[sflag:s26] =	ssyncadd.s32 $0xFFFFCE00  }
0x6b: {  	[hbm4b:s5+s2] =	stream.linear.scatter [tilespmem:s20], [sflag:$0x5], $0x3200, $0x38;
	[tilespmem:$0x12C00] =	vst v63  }
0x6c: {  	_ =	swait.ge [sflag:s28], $0x3200  }
0x6d: {  	[sflag:s28] =	ssyncset.done $0x0  }
0x6e: {  	s9 =	rddreg [dreg:$0xa];
	[sflag:s28] =	ssyncadd.s32 $0xFFFFCE00  }
0x6f: {  	[hbm4b:s9+s2] =	stream.linear.scatter [tilespmem:s21], [sflag:$0x6], $0x3200, $0x38;
	[tilespmem:$0x12C00] =	vst v63  }
0x70: {  	_ =	swait.ge [sflag:s29], $0x3200  }
0x71: {  	[sflag:s29] =	ssyncset.done $0x0  }
0x72: {  	[sflag:s29] =	ssyncadd.s32 $0xFFFFCE00  }
0x73: {  	[hbm4b:s12+s2] =	stream.linear.scatter [tilespmem:s23], [sflag:$0x7], $0x3200, $0x38;
	[tilespmem:$0x12C00] =	vst v63  }
0x74: {  	_ =	swait.ge [sflag:s30], $0x3200  }
0x75: {  	[sflag:s30] =	ssyncset.done $0x0  }
0x76: {  	[sflag:s30] =	ssyncadd.s32 $0xFFFFCE00  }
0x77: {  	[hbm4b:s13+s2] =	stream.linear.scatter [tilespmem:s25], [sflag:$0x8], $0x3200, $0x38;
	[tilespmem:$0x12C00] =	vst v63  }
0x78: {  	_ =	swait.ge [sflag:s31], $0x3200  }
0x79: {  	[sflag:s31] =	ssyncset.done $0x0  }
0x7a: {  	s10 =	simm.s32 $0x60E0;
	[sflag:s31] =	ssyncadd.s32 $0xFFFFCE00  }
0x7b: {  	[tilespmem:s20], [sflag:$0x1] =	stream.indirect.gather [hbm4b:s3+s19], $0x40, s10, s19, $0xb8;
	[tilespmem:$0x12C00] =	vst v63  }
0x7c: {  	_ =	swait.ge [sflag:s1], $0x3200  }
0x7d: {  	[sflag:s1] =	ssyncset.done $0x0  }
0x7e: {  	s11 =	simm.s32 $0x61A8;
	[sflag:s1] =	ssyncadd.s32 $0xFFFFCE00  }
0x7f: {  	[tilespmem:s21], [sflag:$0x2] =	stream.indirect.gather [hbm4b:s3+s19], $0x40, s11, s19, $0xb8;
	[tilespmem:$0x12C00] =	vst v63  }
0x80: {  	_ =	swait.ge [sflag:s0], $0x3200  }
0x81: {  	[sflag:s0] =	ssyncset.done $0x0  }
0x82: {  	s6 =	simm.s32 $0x6270;
	[sflag:s0] =	ssyncadd.s32 $0xFFFFCE00  }
0x83: {  	[tilespmem:s23], [sflag:$0x3] =	stream.indirect.gather [hbm4b:s3+s19], $0x40, s6, s19, $0xb8;
	[tilespmem:$0x12C00] =	vst v63  }
0x84: {  	_ =	swait.ge [sflag:s22], $0x3200  }
0x85: {  	[sflag:s22] =	ssyncset.done $0x0  }
0x86: {  	[sflag:s22] =	ssyncadd.s32 $0xFFFFCE00  }
0x87: {  	[tilespmem:s25], [sflag:$0x4] =	stream.indirect.gather [hbm4b:s3+s19], $0x40, s24, s19, $0xb8;
	[tilespmem:$0x12C00] =	vst v63  }
0x88: {  	_ =	swait.ge [sflag:s26], $0x3200  }
0x89: {  	[sflag:s26] =	ssyncset.done $0x0  }
0x8a: {  	s7 =	rddreg [dreg:$0x5];
	[sflag:s26] =	ssyncadd.s32 $0xFFFFCE00  }
0x8b: {  	[hbm4b:s7+s2] =	stream.linear.scatter [tilespmem:s20], [sflag:$0x5], $0x3200, $0x38;
	[tilespmem:$0x12C00] =	vst v63  }
0x8c: {  	_ =	swait.ge [sflag:s28], $0x3200  }
0x8d: {  	[sflag:s28] =	ssyncset.done $0x0  }
0x8e: {  	s8 =	rddreg [dreg:$0x6];
	[sflag:s28] =	ssyncadd.s32 $0xFFFFCE00  }
0x8f: {  	[hbm4b:s8+s2] =	stream.linear.scatter [tilespmem:s21], [sflag:$0x6], $0x3200, $0x38;
	[tilespmem:$0x12C00] =	vst v63  }
0x90: {  	_ =	swait.ge [sflag:s29], $0x3200  }
0x91: {  	[sflag:s29] =	ssyncset.done $0x0  }
0x92: {  	s9 =	rddreg [dreg:$0x7];
	[sflag:s29] =	ssyncadd.s32 $0xFFFFCE00  }
0x93: {  	[hbm4b:s9+s2] =	stream.linear.scatter [tilespmem:s23], [sflag:$0x7], $0x3200, $0x38;
	[tilespmem:$0x12C00] =	vst v63  }
0x94: {  	_ =	swait.ge [sflag:s30], $0x3200  }
0x95: {  	[sflag:s30] =	ssyncset.done $0x0  }
0x96: {  	s10 =	rddreg [dreg:$0x8];
	[sflag:s30] =	ssyncadd.s32 $0xFFFFCE00  }
0x97: {  	[hbm4b:s10+s2] =	stream.linear.scatter [tilespmem:s25], [sflag:$0x8], $0x3200, $0x38;
	[tilespmem:$0x12C00] =	vst v63  }
0x98: {  	_ =	swait.ge [sflag:s31], $0x3200  }
0x99: {  	[sflag:s31] =	ssyncset.done $0x0  }
0x9a: {  	[sflag:s31] =	ssyncadd.s32 $0xFFFFCE00  }
0x9b: {  	[tilespmem:s20], [sflag:$0x1] =	stream.indirect.gather [hbm4b:s3+s19], $0x40, s24, s19, $0xb8;
	[tilespmem:$0x12C00] =	vst v63  }
0x9c: {  	_ =	swait.ge [sflag:s1], $0x3200  }
0x9d: {  	[sflag:s1] =	ssyncset.done $0x0  }
0x9e: {  	[sflag:s1] =	ssyncadd.s32 $0xFFFFCE00  }
0x9f: {  	[tilespmem:s21], [sflag:$0x2] =	stream.indirect.gather [hbm4b:s3+s19], $0x40, s24, s19, $0xb8;
	[tilespmem:$0x12C00] =	vst v63  }
0xa0: {  	_ =	swait.ge [sflag:s0], $0x3200  }
0xa1: {  	[sflag:s0] =	ssyncset.done $0x0  }
0xa2: {  	[sflag:s0] =	ssyncadd.s32 $0xFFFFCE00  }
0xa3: {  	[tilespmem:s23], [sflag:$0x3] =	stream.indirect.gather [hbm4b:s3+s19], $0x40, s24, s19, $0xb8;
	[tilespmem:$0x12C00] =	vst v63  }
0xa4: {  	_ =	swait.ge [sflag:s22], $0x3200  }
0xa5: {  	[sflag:s22] =	ssyncset.done $0x0  }
0xa6: {  	[sflag:s22] =	ssyncadd.s32 $0xFFFFCE00  }
0xa7: {  	[tilespmem:s25], [sflag:$0x4] =	stream.indirect.gather [hbm4b:s3+s19], $0x40, s24, s19, $0xb8;
	[tilespmem:$0x12C00] =	vst v63  }
0xa8: {  	_ =	swait.ge [sflag:s26], $0x3200  }
0xa9: {  	[sflag:s26] =	ssyncset.done $0x0  }
0xaa: {  	[sflag:s26] =	ssyncadd.s32 $0xFFFFCE00  }
0xab: {  	_ =	swait.ge [sflag:s28], $0x3200  }
0xac: {  	[sflag:s28] =	ssyncset.done $0x0  }
0xad: {  	[sflag:s28] =	ssyncadd.s32 $0xFFFFCE00  }
0xae: {  	_ =	swait.ge [sflag:s29], $0x3200  }
0xaf: {  	[sflag:s29] =	ssyncset.done $0x0  }
0xb0: {  	[sflag:s29] =	ssyncadd.s32 $0xFFFFCE00  }
0xb1: {  	_ =	swait.ge [sflag:s30], $0x3200  }
0xb2: {  	s4 =	sadd.s32 $0x1, s4;
	s11 =	rddreg [dreg:$0x4]  }
0xb3: {  	p0 =	sne.s32 s4, s11  }
.Ltmp1:
0xb4: {  	_ = 	snop;
	(pc) =	sbr.rel @p0 .LBB2_1-.Ltmp1, $3  }
0xb5: {  	_ =	sdelay $0x1  }
0xb6: {  	[sflag:s30] =	ssyncset.done $0x0  }
0xb7: {  	[sflag:s30] =	ssyncadd.s32 $0xFFFFCE00  }
0xb8: {  	_ =	sfence.sel $0x180000  }
0xb9: {  	[bflag:$0x0] =	sbarrier.arrive $0xFFFF  }
0xba: {  	_ =	strace $0x90000047  }
0xbb: {  	s0 =	stileid.u32;
	[bflag:$0x2] =	sbarrier.arrive $0xFFFF  }
0xbc: {  	p0 =	sne.s32 s0, $0x0;
	s0 =	rddreg [dreg:$0x2]  }
0xbd: {  	s0 =	sadd.s32 @!p0 $0x100000, s0  }
0xbe: {  	[sflag:s0] =	ssyncadd.tile.s32 @!p0 $0x1;
	_ =	shalt  }
.Lfunc_end2:
_tile_overlayer_lowered:
.L_overlay_start_2:
0xbf: {  	(tag) =	ssettag $0x2  }
0xc0: {  	s0 =	rddreg [dreg:$0x0];
	s2 =	stileid.u32  }
0xc1: {  	s1 =	rddreg [dreg:$0x1];
	p0 =	sne.s32 s2, $0x0  }
0xc2: {  	s3 =	rddreg [dreg:$0x2];
	[bflag:$0x3] =	sbarrier.arrive $0xFFFF;
	s2 =	simm.s32 @!p0 $0x1C09  }
0xc3: {  	[timem:s3], [sflag:s2] =	dma.local @!p0 [hbm:s0], s1  }
0xc4: {  	s0 =	simm.s32 @!p0 $0x9  }
0xc5: {  	_ =	swait.ge @!p0 [sflag:s0], s1  }
0xc6: {  	s1 =	ssub.s32 @!p0 $0x0, s1;
	[sflag:s0] =	ssyncset.done @!p0 $0x0  }
0xc7: {  	[sflag:s0] =	ssyncadd.s32 @!p0 s1  }
0xc8: {  	[bflag:$0x3] =	sbarrier.arrive $0xFFFF  }
0xc9: {  	_ =	shalt  }

// kernel: sparse-core-data-format-call.cloned.1.call-start
scs
called_computation_lowered:
.L_overlay_start_0:
0x0: {  	s2 =	sld [smem:$0x3FD9]  }
0x1: {  	s3 =	sld [smem:$0x3FFE];
	_ =	sdelay $0x1  }
0x2: {  	s1 =	srdreg.scid  }
0x3: {  	s0 =	sand.u32 $0x1, s1  }
0x4: {  	s18 =	sshll.u32 s0, $0xA;
	s2 =	sadd.s32 s3, s2  }
0x5: {  	s2 =	sadd.s32 s2, s18  }
0x6: {  	[smem:$0x3FC6] =	sst s2  }
0x7: {  	_ = 	snop  }
0x8: {  	s2 =	sld [smem:$0x3FD0];
	(tm) =	ssettm $0x1  }
0x9: {  	s19 =	sld [smem:$0x3FFB];
	_ =	sdelay $0x3  }
0xa: {  	_ =	strace s19  }
0xb: {  	s3 =	sld [smem:$0x3FFC];
	_ =	sdelay $0x3  }
0xc: {  	_ =	strace s3  }
0xd: {  	s3 =	sld [smem:$0x3FFD];
	_ =	sdelay $0x3  }
0xe: {  	_ =	strace s3  }
0xf: {  	_ =	strace $0x8FFFFFFF  }
0x10: {  	s20 =	sld [smem:$0x3FDB];
	_ =	sdelay $0x1  }
0x11: {  	s4 =	simm.s32 $_scs_section_size  }
0x12: {  	s5 =	simm.s32 $_size__tile_overlayer_lowered;
	s6 =	simm.s32 $_tile_overlayer_lowered  }
0x13: {  	s23 =	simm.s32 $0x1BFF;
	s22 =	sshll.u32 s6, $0x1;
	s3 =	sadd.s32 s4, s20  }
0x14: {  	s7 =	simm.s32 $0x0;
	s21 =	sshll.u32 s5, $0x1;
	s5 =	sadd.s32 s22, s3  }
0x15: {  	[timem:s7], [sflag:s23] =	dma.local [hbm:s5], s21  }
0x16: {  	_ =	swait.ge [sflag:s23], s21  }
0x17: {  	s4 =	ssub.s32 $0x0, s21;
	[sflag:s23] =	ssyncset.done $0x0  }
0x18: {  	[sflag:s23] =	ssyncadd.s32 s4;
	_ =	sdelay $0x1  }
0x19: {  	s24 =	simm.s32 $0x1B8B  }
0x1a: {  	_ =	swait.ge [sflag:s24], $0x1  }
0x1b: {  	[sflag:s24] =	ssyncset.done $0x0  }
0x1c: {  	s26 =	simm.s32 $0x1B8E;
	s25 =	sld [smem:$0x3FFE];
	[sflag:s24] =	ssyncadd.s32 $0xFFFFFFFF  }
0x1d: {  	s27 =	simm.s32 $execute0_lowered;
	[smem:$0x3FD2] =	sst s26  }
0x1e: {  	s5 =	sshll.u32 s27, $0x1;
	_ =	strace $0x80000049;
	[dreg:$0x1] =	wrdreg $0xFFFFFFFF  }
0x1f: {  	s28 =	simm.s32 $_size_execute0_lowered;
	s3 =	sadd.s32 s3, s5;
	[dreg:$0x0] =	wrdreg $0x0  }
0x20: {  	s5 =	sshll.u32 s28, $0x1;
	[dreg:$0x2] =	wrdreg s3  }
0x21: {  	[dreg:$0x3] =	wrdreg s5  }
0x22: {  	[dreg:$0x4] =	wrdreg $0xC0  }
0x23: {  	_ =	task [dreg:s7], $0x5FFFF  }
0x24: {  	[dreg:$0x1] =	wrdreg $0xFFFFFFFF  }
0x25: {  	[dreg:$0x0] =	wrdreg $0x60  }
0x26: {  	[dreg:$0x2] =	wrdreg s25  }
0x27: {  	[dreg:$0x3] =	wrdreg s2  }
0x28: {  	[dreg:$0x4] =	wrdreg $0x9  }
0x29: {  	_ =	task.clear_ibuf [dreg:s7], $0x5FFFF;
	_ =	strace $0x90000049  }
0x2a: {  	s29 =	simm.s32 $0x9;
	_ =	strace $0x8000004B  }
0x2b: {  	_ =	swait.ge [sflag:s29], $0x1  }
0x2c: {  	[sflag:s29] =	ssyncadd.s32 $0xFFFFFFFF  }
0x2d: {  	_ =	strace $0x9000004B  }
0x2e: {  	_ =	sfence  }
0x2f: {  	s30 =	sld [smem:$0x0];
	_ =	sdelay $0x2  }
0x30: {  	s31 =	sshll.u32 s1, $0xD;
	s1 =	sshrl.u32 s1, $0x2  }
0x31: {  	s3 =	sand.u32 $0x4000, s31;
	s1 =	sadd.s32 s1, s30  }
0x32: {  	s0 =	sor.u32 s3, s0;
	s1 =	sshll.u32 s1, $0x11  }
0x33: {  	s0 =	sor.u32 s1, s0  }
0x34: {  	s0 =	sadd.s32 $0x8F2B, s0  }
0x35: {  	[sflag:s0] =	ssyncadd.remote.s32 $0x1  }
0x36: {  	_ =	sfence.sel $0xFFFF  }
0x37: {  	[dreg:$0x0] =	wrdreg $0xFFFFFFFF;
	(pc) =	sbr.abs _section_cstart, $3  }
0x38: {  	[dreg:$0x1] =	wrdreg $0xFFFFFFFF  }
0x39: {  	_ =	task.clear_ibuf [dreg:s7], $0x2FFFF;
	_ =	strace $0x9FFFFFFF  }
0x3a: {  	(tm) =	ssettm $0x7FFFFFFF  }
0x3b: {  	_ =	shalt  }
tec
execute0_lowered:
.L_overlay_start_1:
0x0: {  	(tag) =	ssettag $0x1  }
0x1: {  	s0 =	srdreg.scid  }
0x2: {  	s1 =	sshll.u32 s0, $0x4  }
0x3: {  	s0 =	stileid.u32;
	s1 =	sand.u32 $0x10, s1  }
0x4: {  	s1 =	sor.u32 s0, s1  }
0x5: {  	s6 =	rddreg [dreg:$0x0];
	s4 =	simm.s32 $0x1;
	s2 =	sshll.u32 s1, $0x7  }
0x6: {  	s7 =	simm.s32 $0x2;
	s12 =	simm.s32 $0x0;
	s1 =	ssub.s32 $0x1000, s2  }
0x7: {  	s8 =	simm.s32 $0x8000;
	s13 =	simm.s32 $0x0;
	s3 =	sand.u32 $0xF80, s1  }
0x8: {  	s9 =	simm.s32 $0x0;
	s5 =	sshrl.u32 s1, $0xC;
	p0 =	sne.s32 s3, $0x0  }
.Ltmp0:
0x9: {  	s1 =	rddreg [dreg:$0x2];
	s4 =	simm.s32 @!p0 $0x0;
	(pc) =	sbr.rel .LBB1_1-.Ltmp0, $4  }
0xa: {  	s11 =	simm.s32 $0x0;
	s3 =	rddreg [dreg:$0x1];
	s5 =	sadd.s32 s4, s5  }
0xb: {  	_ =	strace $0x8000004A;
	s4 =	simm.s32 $0x1;
	s5 =	smul.u32 $0xC8, s5  }
0xc: {  	s6 =	sadd.s32 $0x800, s6;
	s10 =	smov.u32 s2;
	[sflag:s4] =	ssyncpa.u1 $0x0  }
0xd: {  	p0 =	por $0x0, $0x0;
	[sflag:s7] =	ssyncpa.u1 $0x0;
	s7 =	sor.u32 $0x1, s5  }
.LBB1_4:
0xe: {  	s16 =	sshll.u32 s13, $0x3;
	s17 =	sand.u32 $0x78, s13  }
0xf: {  	s30 =	sand.u32 $0x7E00, s13;
	s12 =	sshll.u32 s12, $0xF;
	s16 =	sand.u32 $0xC00, s16  }
0x10: {  	[tilespmem:s15+$0x810 ss:$0x81] =	vst.msk $0xffff, v2;
	s31 =	sand.u32 $0x7, s13;
	s16 =	sor.u32 s17, s16;
	s17 =	sadd.s32 s3, s30  }
0x11: {  	[tilespmem:s15+$0x1020 ss:$0x81] =	vst.msk $0xffff, v0;
	s13 =	sshll.u32 s31, $0x12;
	s12 =	sadd.s32 s12, s17;
	s16 =	sshrl.u32 s16, $0x3  }
0x12: {  	[tilespmem:s15+$0x0 ss:$0x81] =	vst.msk $0xffff, v1;
	s13 =	sor.u32 $0x400, s13;
	s12 =	sadd.s32 s16, s12  }
0x13: {  	[hbm4b:s12+s13] =	stream.strided.scatter [tilespmem:s14], [sflag:$0x2], $0x2000, s8, s13, $0x20;
	[tilespmem:$0x8080] =	vst v63  }
.LBB1_5:
0x14: {  	s14 =	sadd.s32 $0x1, s9  }
0x15: {  	s12 =	sadd.s32 $0x1000, s10;
	s16 =	smov.u32 s10;
	p2 =	sgt.s32 s14, $0xC7  }
0x16: {  	s16 =	smov.u32 @p2 s12  }
0x17: {  	s14 =	simm.s32 @p2 $0x0;
	p2 =	sgt.s32 s16, $0xFFF  }
0x18: {  	s16 =	smov.u32 @p2 s2;
	p2 =	sne.s32 s11, s7  }
.Ltmp1:
0x19: {  	p1 =	slt.u32 s11, $0x2;
	(pc) =	sbr.rel @!p2 .LBB1_6-.Ltmp1, $4  }
0x1a: {  	s15 =	simm.s32 @!p1 $0x2  }
0x1b: {  	s13 =	smov.u32 s10;
	p0 =	por !p0, !p0;
	_ =	swait.ge @!p1 [sflag:s15], $0x2000  }
0x1c: {  	s12 =	smov.u32 s9;
	[sflag:s15] =	ssyncset.done @!p1 $0x0;
	s9 =	smov.u32 s14  }
0x1d: {  	s11 =	sadd.s32 $0x1, s11;
	[sflag:s15] =	ssyncadd.s32 @!p1 $0xFFFFE000;
	s10 =	smov.u32 s16  }
.LBB1_1:
0x1e: {  	p1 =	sge.u32 s11, s5  }
0x1f: {  	s14 =	sand.u32 @!p1 $0x1FFFFFF, s9  }
0x20: {  	s15 =	smulhi.u32 @!p1 $0x147AE15, s14;
	_ =	sdelay $0x1  }
0x21: {  	s15 =	smul.u32 @!p1 $0xC8, s15  }
0x22: {  	s16 =	sxor.u32 @!p1 $0xFFFFFFFF, s11;
	s17 =	smul.u32 @!p1 $0xC80, s10  }
0x23: {  	s31 =	sadd.s32 $0xFFFFFFFF, s11;
	s16 =	sshll.u32 @!p1 s16, $0xD;
	s14 =	ssub.s32 @!p1 s14, s15  }
0x24: {  	s15 =	sand.u32 @!p1 $0x2000, s16;
	s16 =	sadd.s32 @!p1 s6, s17;
	s14 =	sshll.u32 @!p1 s14, $0x4  }
0x25: {  	s17 =	simm.s32 @!p1 $0x6400;
	s14 =	sadd.s32 @!p1 s14, s16;
	s16 =	simm.s32 @!p1 $0x40  }
0x26: {  	[tilespmem:s15], [sflag:$0x1] =	stream.strided.gather @!p1 [hbm4b:s14+s16], $0x2000, s17, s16, $0x38;
	[tilespmem:$0x8080] =	vst v63  }
0x27: {  	p1 =	sge.u32 s31, s5  }
.Ltmp2:
0x28: {  	_ = 	snop;
	(pc) =	sbr.rel @p1 .LBB1_5-.Ltmp2, $1  }
0x29: {  	_ =	sdelay $0x3  }
0x2a: {  	s14 =	simm.s32 $0x1  }
0x2b: {  	_ =	swait.ge [sflag:s4], $0x2000;
	s14 =	simm.s32 @!p0 $0x0  }
0x2c: {  	[sflag:s4] =	ssyncset.done $0x0;
	s15 =	sshll.u32 s14, $0xD  }
0x2d: {  	[sflag:s4] =	ssyncadd.s32 $0xFFFFE000;
	s18 =	sor.u32 $0x20, s15  }
0x2e: {  	s14 =	smul.u32 $0x8100, s14;
	v3 =	vld [tilespmem:s18+$0x10]  }
0x2f: {  	s30 =	sand.u32 $0x1, s11;
	v2 =	vld [tilespmem:s18+$0xFFFFFFF0]  }
0x30: {  	s15 =	smul.u32 $0x8100, s30;
	s14 =	sshrl.u32 s14, $0x2;
	v0 =	vld [tilespmem:s18+$0x0]  }
0x31: {  	v1 =	vld [tilespmem:s18+$0xFFFFFFE0];
	s16 =	sor.u32 $0x4000, s14  }
0x32: {  	s31 =	sshrl.u32 s15, $0x2;
	s15 =	sadd.s32 $0x0, s16  }
0x33: {  	s17 =	simm.s32 $0x4;
	s18 =	sadd.s32 $0x40, s18;
	s14 =	sor.u32 $0x4000, s31;
	[tilespmem:s15+$0x1830 ss:$0x81] =	vst.msk $0xffff, v3  }
.LBB1_3:
0x34: {  	v3 =	vld [tilespmem:s18+$0x10];
	p1 =	sne.s32 s17, $0x1FC;
	[tilespmem:s15+$0x810 ss:$0x81] =	vst.msk $0xffff, v2;
	s19 =	smov.u32 s17;
	s17 =	sadd.s32 $0x4, s17  }
.Ltmp3:
0x35: {  	v2 =	vld [tilespmem:s18+$0xFFFFFFF0];
	[tilespmem:s15+$0x1020 ss:$0x81] =	vst.msk $0xffff, v0;
	(pc) =	sbr.rel @p1 .LBB1_3-.Ltmp3, $4  }
0x36: {  	v0 =	vld [tilespmem:s18+$0x0];
	[tilespmem:s15+$0x0 ss:$0x81] =	vst.msk $0xffff, v1  }
0x37: {  	s15 =	sshra.s32 s19, $0x2;
	v1 =	vld [tilespmem:s18+$0xFFFFFFE0]  }
0x38: {  	s15 =	sadd.s32 s15, s16  }
0x39: {  	s18 =	sadd.s32 $0x40, s18;
	[tilespmem:s15+$0x1830 ss:$0x81] =	vst.msk $0xffff, v3  }
.Ltmp4:
0x3a: {  	_ = 	snop;
	(pc) =	sbr.rel .LBB1_4-.Ltmp4, $1  }
0x3b: {  	_ =	sdelay $0x3  }
.LBB1_6:
0x3c: {  	_ =	sfence.sel $0x180000  }
0x3d: {  	s2 =	simm.s32 $0x1;
	[bflag:$0x0] =	sbarrier.arrive $0xFFFF  }
0x3e: {  	s31 =	simm.s32 $0x2;
	[sflag:s2] =	ssyncpa.u1 $0x1  }
0x3f: {  	[sflag:s31] =	ssyncpa.u1 $0x1  }
0x40: {  	p0 =	sne.s32 s0, $0x0;
	_ =	strace $0x9000004A  }
0x41: {  	s0 =	sadd.s32 @!p0 $0x100000, s1;
	[bflag:$0x2] =	sbarrier.arrive $0xFFFF  }
0x42: {  	[sflag:s0] =	ssyncadd.tile.s32 @!p0 $0x1;
	_ =	shalt  }
.Lfunc_end1:
_tile_overlayer_lowered:
.L_overlay_start_2:
0x43: {  	(tag) =	ssettag $0x2  }
0x44: {  	s0 =	rddreg [dreg:$0x0];
	s2 =	stileid.u32  }
0x45: {  	s1 =	rddreg [dreg:$0x1];
	p0 =	sne.s32 s2, $0x0  }
0x46: {  	s3 =	rddreg [dreg:$0x2];
	[bflag:$0x3] =	sbarrier.arrive $0xFFFF;
	s2 =	simm.s32 @!p0 $0x1C01  }
0x47: {  	[timem:s3], [sflag:s2] =	dma.local @!p0 [hbm:s0], s1  }
0x48: {  	s0 =	simm.s32 @!p0 $0x1  }
0x49: {  	_ =	swait.ge @!p0 [sflag:s0], s1  }
0x4a: {  	s1 =	ssub.s32 @!p0 $0x0, s1;
	[sflag:s0] =	ssyncset.done @!p0 $0x0  }
0x4b: {  	[sflag:s0] =	ssyncadd.s32 @!p0 s1  }
0x4c: {  	[bflag:$0x3] =	sbarrier.arrive $0xFFFF  }
0x4d: {  	_ =	shalt  }

</sc_bundles>
